<compile_context>
chip_gen: v7x
topology: tpu7x:2x2x1
jax: 0.10.2.dev20260603
libtpu: 0.0.44.dev20260713+nightly
codegen_flags: <defaults>
</compile_context>

<pallas_src>
import functools

import jax
import jax.numpy as jnp
from jax import lax
from jax.experimental import pallas as pl
from jax.experimental.pallas import tpu as pltpu
from jax.experimental.pallas import tpu_sc as plsc

VOCAB = 104353
DIM = 128
B = 4096
L = 50

NC = 2
NS = 16
NW = NC * NS

PER_B = B // NW
GB = 1
GL = GB * L
PER_G = PER_B // GB
NBUF = 8
NG = PER_G // NBUF


def _make_gather():
    mesh = plsc.VectorSubcoreMesh(core_axis_name="c", subcore_axis_name="s")

    @functools.partial(
        pl.kernel,
        mesh=mesh,
        out_type=jax.ShapeDtypeStruct((B // GB, GL, DIM), jnp.float32),
        scratch_types=[
            pltpu.VMEM((PER_G, GL), jnp.int32),
            *[pltpu.VMEM((1, GL, DIM), jnp.float32) for _ in range(NBUF)],
            pltpu.SemaphoreType.DMA((NBUF,)),
            pltpu.SemaphoreType.DMA((NBUF,)),
        ],
    )
    def gather_kernel(x_hbm, table_hbm, out_hbm, idx_v, *bufs_and_sems):
        bufs = bufs_and_sems[:NBUF]
        gsem, wsem = bufs_and_sems[NBUF], bufs_and_sems[NBUF + 1]
        wid = lax.axis_index("s") * NC + lax.axis_index("c")
        base = wid * PER_G
        pltpu.sync_copy(x_hbm.at[wid], idx_v)

        def gather_start(j, r):
            pltpu.make_async_copy(
                table_hbm.at[idx_v.at[j]], bufs[r].at[0], gsem.at[r]
            ).start()

        def gather_wait(j, r):
            pltpu.make_async_copy(
                table_hbm.at[idx_v.at[j]], bufs[r].at[0], gsem.at[r]
            ).wait()

        def wb_start(j, r):
            pltpu.make_async_copy(
                bufs[r], out_hbm.at[pl.ds(base + j, 1)], wsem.at[r]
            ).start()

        def wb_wait(j, r):
            pltpu.make_async_copy(
                bufs[r], out_hbm.at[pl.ds(base + j, 1)], wsem.at[r]
            ).wait()

        for r in range(NBUF):
            gather_start(r, r)

        def body(g, carry):
            for r in range(NBUF):
                j = g * NBUF + r
                gather_wait(j, r)
                wb_start(j, r)
            for r in range(NBUF):
                j = g * NBUF + r
                wb_wait(j, r)
                gather_start(j + NBUF, r)
            return carry

        lax.fori_loop(0, NG - 1, body, 0)

        for r in range(NBUF):
            j = (NG - 1) * NBUF + r
            gather_wait(j, r)
            wb_start(j, r)
        for r in range(NBUF):
            j = (NG - 1) * NBUF + r
            wb_wait(j, r)

    return gather_kernel


_gather = _make_gather()


@jax.jit
def kernel(x, table):
    xf = x.reshape(NW, PER_G, GL)
    return _gather(xf, table).reshape(B, L, DIM)

# --- scband reference (transcript-rebuilt; emitter-appended) ---
"""Pipeline reference for scband-code-input-layer-9972914061396 (READ-ONLY COPY).

The authoritative reference and input builder live on the scoring server;
editing this copy changes nothing except your own understanding.
"""

import jax, jax.numpy as jnp
import numpy as np

VOCAB = 104353
DIM = 128
B = 4096
L = 50


def setup_inputs(seed: int = 0) -> dict:
    key = jax.random.key(seed)
    k1, k2 = jax.random.split(key)
    x = jax.random.randint(k1, (B, L), 0, VOCAB, dtype=jnp.int32)
    table = jax.random.normal(k2, (VOCAB, DIM), dtype=jnp.float32)
    # padding_idx=0: embedding row 0 is zero
    table = table.at[0].set(0.0)
    return {"x": x, "table": table}


def reference(x, table):
    # nn.Embedding forward: gather rows of the table by index
    return jnp.take(table, x, axis=0)

if __name__ == "__main__":
    import jax
    _d = setup_inputs()
    print(jax.jit(kernel)(*tuple(_d.values())))

</pallas_src>

<mosaic_0001>
#map = affine_map<(d0, d1) -> (0, 0, 0)>
#map1 = affine_map<(d0, d1) -> (0, 0)>
module attributes {stable_mosaic.version = 14 : i64} {
  func.func @gather_kernel(%arg0: i32, %arg1: i32, %arg2: memref<32x128x50xi32, #tpu.memory_space<hbm>>, %arg3: memref<104353x128xf32, #tpu.memory_space<hbm>>, %arg4: memref<4096x50x128xf32, #tpu.memory_space<hbm>>, %arg5: memref<128x50xi32, #tpu.memory_space<vmem>>, %arg6: memref<1x50x128xf32, #tpu.memory_space<vmem>>, %arg7: memref<1x50x128xf32, #tpu.memory_space<vmem>>, %arg8: memref<1x50x128xf32, #tpu.memory_space<vmem>>, %arg9: memref<1x50x128xf32, #tpu.memory_space<vmem>>, %arg10: memref<1x50x128xf32, #tpu.memory_space<vmem>>, %arg11: memref<1x50x128xf32, #tpu.memory_space<vmem>>, %arg12: memref<1x50x128xf32, #tpu.memory_space<vmem>>, %arg13: memref<1x50x128xf32, #tpu.memory_space<vmem>>, %arg14: memref<8x!tpu.dma_semaphore, #tpu.memory_space<semaphore_mem>>, %arg15: memref<8x!tpu.dma_semaphore, #tpu.memory_space<semaphore_mem>>) attributes {dimension_semantics = [#tpu.dimension_semantics<core_parallel>, #tpu.dimension_semantics<subcore_parallel>], iteration_bounds = array<i64: 2, 16>, scalar_prefetch = 0 : i64, scratch_operands = 11 : i64, tpu.core_type = #tpu.core_type<sc_vector_subcore>, window_params = [{transform_indices = #map}, {transform_indices = #map1}, {transform_indices = #map}]} {
    %mul3A = arith.constant 2 : i32
    %mul3A_0 = arith.muli %arg1, %mul3A : i32
    %add3A = arith.addi %mul3A_0, %arg0 : i32
    %mul3A_1 = arith.constant 128 : i32
    %mul3A_2 = arith.muli %add3A, %mul3A_1 : i32
    "tpu.region"() ({
      %run_scoped3A = tpu.sem_alloc : memref<!tpu.dma_semaphore, #tpu.memory_space<semaphore_mem>>
      %dma_start3A_422 = arith.constant 0 : i32
      %dma_start3A_423 = arith.constant 0 : i32
      %dma_start3A_424 = tpu.memref_slice %arg2[%add3A, %dma_start3A_422, %dma_start3A_423] : memref<32x128x50xi32, #tpu.memory_space<hbm>> -> memref<1x128x50xi32, #tpu.memory_space<hbm>>
      %dma_start3A_425 = tpu.memref_squeeze %dma_start3A_424 : memref<1x128x50xi32, #tpu.memory_space<hbm>> -> memref<128x50xi32, #tpu.memory_space<hbm>>
      %dma_start3A_426 = arith.constant 0 : i32
      %dma_start3A_427 = arith.constant 0 : i32
      %dma_start3A_428 = tpu.memref_slice %arg2[%add3A, %dma_start3A_426, %dma_start3A_427] : memref<32x128x50xi32, #tpu.memory_space<hbm>> -> memref<1x128x50xi32, #tpu.memory_space<hbm>>
      %dma_start3A_429 = tpu.memref_squeeze %dma_start3A_428 : memref<1x128x50xi32, #tpu.memory_space<hbm>> -> memref<128x50xi32, #tpu.memory_space<hbm>>
      tpu.enqueue_dma source(%dma_start3A_429 : memref<128x50xi32, #tpu.memory_space<hbm>>) target(%arg5 : memref<128x50xi32, #tpu.memory_space<vmem>>) target_semaphore(%run_scoped3A : memref<!tpu.dma_semaphore, #tpu.memory_space<semaphore_mem>>)
      %dma_wait3A_430 = arith.constant 0 : i32
      %dma_wait3A_431 = arith.constant 0 : i32
      %dma_wait3A_432 = tpu.memref_slice %arg2[%add3A, %dma_wait3A_430, %dma_wait3A_431] : memref<32x128x50xi32, #tpu.memory_space<hbm>> -> memref<1x128x50xi32, #tpu.memory_space<hbm>>
      %dma_wait3A_433 = tpu.memref_squeeze %dma_wait3A_432 : memref<1x128x50xi32, #tpu.memory_space<hbm>> -> memref<128x50xi32, #tpu.memory_space<hbm>>
      %dma_wait3A_434 = arith.constant 0 : i32
      %dma_wait3A_435 = arith.constant 0 : i32
      %dma_wait3A_436 = tpu.memref_slice %arg2[%add3A, %dma_wait3A_434, %dma_wait3A_435] : memref<32x128x50xi32, #tpu.memory_space<hbm>> -> memref<1x128x50xi32, #tpu.memory_space<hbm>>
      %dma_wait3A_437 = tpu.memref_squeeze %dma_wait3A_436 : memref<1x128x50xi32, #tpu.memory_space<hbm>> -> memref<128x50xi32, #tpu.memory_space<hbm>>
      tpu.wait_dma2 semaphore(%run_scoped3A : memref<!tpu.dma_semaphore, #tpu.memory_space<semaphore_mem>>) src(%dma_wait3A_437 : memref<128x50xi32, #tpu.memory_space<hbm>>) dst(%arg5 : memref<128x50xi32, #tpu.memory_space<vmem>>)
      tpu.yield
    }) : () -> ()
    %dma_start3A = arith.constant 0 : i32
    %dma_start3A_3 = arith.constant 0 : i32
    %dma_start3A_4 = arith.constant 0 : i32
    %dma_start3A_5 = arith.constant 0 : i32
    %dma_start3A_6 = arith.constant 0 : i32
    %dma_start3A_7 = tpu.memref_slice %arg6[%dma_start3A_3, %dma_start3A_5, %dma_start3A_6] : memref<1x50x128xf32, #tpu.memory_space<vmem>> -> memref<1x50x128xf32, #tpu.memory_space<vmem>>
    %dma_start3A_8 = tpu.memref_squeeze %dma_start3A_7 : memref<1x50x128xf32, #tpu.memory_space<vmem>> -> memref<50x128xf32, #tpu.memory_space<vmem>>
    %dma_start3A_9 = arith.constant 0 : i32
    %dma_start3A_10 = tpu.memref_slice %arg5[%dma_start3A, %dma_start3A_9] : memref<128x50xi32, #tpu.memory_space<vmem>> -> memref<1x50xi32, #tpu.memory_space<vmem>>
    %dma_start3A_11 = tpu.memref_squeeze %dma_start3A_10 : memref<1x50xi32, #tpu.memory_space<vmem>> -> memref<50xi32, #tpu.memory_space<vmem>>
    %dma_start3A_12 = arith.constant 0 : i32
    %dma_start3A_13 = arith.constant 0 : i32
    %dma_start3A_14 = tpu.memref_slice %arg3[%dma_start3A_12, %dma_start3A_13] : memref<104353x128xf32, #tpu.memory_space<hbm>> -> memref<104353x128xf32, #tpu.memory_space<hbm>>
    %dma_start3A_15 = tpu.memref_slice %arg14[%dma_start3A_4] : memref<8x!tpu.dma_semaphore, #tpu.memory_space<semaphore_mem>> -> memref<1x!tpu.dma_semaphore, #tpu.memory_space<semaphore_mem>>
    %dma_start3A_16 = tpu.memref_squeeze %dma_start3A_15 : memref<1x!tpu.dma_semaphore, #tpu.memory_space<semaphore_mem>> -> memref<!tpu.dma_semaphore, #tpu.memory_space<semaphore_mem>>
    tpu.enqueue_indirect_dma source(%dma_start3A_14 : memref<104353x128xf32, #tpu.memory_space<hbm>>) target(%dma_start3A_8 : memref<50x128xf32, #tpu.memory_space<vmem>>) offsets(%dma_start3A_11 : memref<50xi32, #tpu.memory_space<vmem>>) semaphore(%dma_start3A_16 : memref<!tpu.dma_semaphore, #tpu.memory_space<semaphore_mem>>)
    %dma_start3A_17 = arith.constant 1 : i32
    %dma_start3A_18 = arith.constant 0 : i32
    %dma_start3A_19 = arith.constant 1 : i32
    %dma_start3A_20 = arith.constant 0 : i32
    %dma_start3A_21 = arith.constant 0 : i32
    %dma_start3A_22 = tpu.memref_slice %arg7[%dma_start3A_18, %dma_start3A_20, %dma_start3A_21] : memref<1x50x128xf32, #tpu.memory_space<vmem>> -> memref<1x50x128xf32, #tpu.memory_space<vmem>>
    %dma_start3A_23 = tpu.memref_squeeze %dma_start3A_22 : memref<1x50x128xf32, #tpu.memory_space<vmem>> -> memref<50x128xf32, #tpu.memory_space<vmem>>
    %dma_start3A_24 = arith.constant 0 : i32
    %dma_start3A_25 = tpu.memref_slice %arg5[%dma_start3A_17, %dma_start3A_24] : memref<128x50xi32, #tpu.memory_space<vmem>> -> memref<1x50xi32, #tpu.memory_space<vmem>>
    %dma_start3A_26 = tpu.memref_squeeze %dma_start3A_25 : memref<1x50xi32, #tpu.memory_space<vmem>> -> memref<50xi32, #tpu.memory_space<vmem>>
    %dma_start3A_27 = arith.constant 0 : i32
    %dma_start3A_28 = arith.constant 0 : i32
    %dma_start3A_29 = tpu.memref_slice %arg3[%dma_start3A_27, %dma_start3A_28] : memref<104353x128xf32, #tpu.memory_space<hbm>> -> memref<104353x128xf32, #tpu.memory_space<hbm>>
    %dma_start3A_30 = tpu.memref_slice %arg14[%dma_start3A_19] : memref<8x!tpu.dma_semaphore, #tpu.memory_space<semaphore_mem>> -> memref<1x!tpu.dma_semaphore, #tpu.memory_space<semaphore_mem>>
    %dma_start3A_31 = tpu.memref_squeeze %dma_start3A_30 : memref<1x!tpu.dma_semaphore, #tpu.memory_space<semaphore_mem>> -> memref<!tpu.dma_semaphore, #tpu.memory_space<semaphore_mem>>
    tpu.enqueue_indirect_dma source(%dma_start3A_29 : memref<104353x128xf32, #tpu.memory_space<hbm>>) target(%dma_start3A_23 : memref<50x128xf32, #tpu.memory_space<vmem>>) offsets(%dma_start3A_26 : memref<50xi32, #tpu.memory_space<vmem>>) semaphore(%dma_start3A_31 : memref<!tpu.dma_semaphore, #tpu.memory_space<semaphore_mem>>)
    %dma_start3A_32 = arith.constant 2 : i32
    %dma_start3A_33 = arith.constant 0 : i32
    %dma_start3A_34 = arith.constant 2 : i32
    %dma_start3A_35 = arith.constant 0 : i32
    %dma_start3A_36 = arith.constant 0 : i32
    %dma_start3A_37 = tpu.memref_slice %arg8[%dma_start3A_33, %dma_start3A_35, %dma_start3A_36] : memref<1x50x128xf32, #tpu.memory_space<vmem>> -> memref<1x50x128xf32, #tpu.memory_space<vmem>>
    %dma_start3A_38 = tpu.memref_squeeze %dma_start3A_37 : memref<1x50x128xf32, #tpu.memory_space<vmem>> -> memref<50x128xf32, #tpu.memory_space<vmem>>
    %dma_start3A_39 = arith.constant 0 : i32
    %dma_start3A_40 = tpu.memref_slice %arg5[%dma_start3A_32, %dma_start3A_39] : memref<128x50xi32, #tpu.memory_space<vmem>> -> memref<1x50xi32, #tpu.memory_space<vmem>>
    %dma_start3A_41 = tpu.memref_squeeze %dma_start3A_40 : memref<1x50xi32, #tpu.memory_space<vmem>> -> memref<50xi32, #tpu.memory_space<vmem>>
    %dma_start3A_42 = arith.constant 0 : i32
    %dma_start3A_43 = arith.constant 0 : i32
    %dma_start3A_44 = tpu.memref_slice %arg3[%dma_start3A_42, %dma_start3A_43] : memref<104353x128xf32, #tpu.memory_space<hbm>> -> memref<104353x128xf32, #tpu.memory_space<hbm>>
    %dma_start3A_45 = tpu.memref_slice %arg14[%dma_start3A_34] : memref<8x!tpu.dma_semaphore, #tpu.memory_space<semaphore_mem>> -> memref<1x!tpu.dma_semaphore, #tpu.memory_space<semaphore_mem>>
    %dma_start3A_46 = tpu.memref_squeeze %dma_start3A_45 : memref<1x!tpu.dma_semaphore, #tpu.memory_space<semaphore_mem>> -> memref<!tpu.dma_semaphore, #tpu.memory_space<semaphore_mem>>
    tpu.enqueue_indirect_dma source(%dma_start3A_44 : memref<104353x128xf32, #tpu.memory_space<hbm>>) target(%dma_start3A_38 : memref<50x128xf32, #tpu.memory_space<vmem>>) offsets(%dma_start3A_41 : memref<50xi32, #tpu.memory_space<vmem>>) semaphore(%dma_start3A_46 : memref<!tpu.dma_semaphore, #tpu.memory_space<semaphore_mem>>)
    %dma_start3A_47 = arith.constant 3 : i32
    %dma_start3A_48 = arith.constant 0 : i32
    %dma_start3A_49 = arith.constant 3 : i32
    %dma_start3A_50 = arith.constant 0 : i32
    %dma_start3A_51 = arith.constant 0 : i32
    %dma_start3A_52 = tpu.memref_slice %arg9[%dma_start3A_48, %dma_start3A_50, %dma_start3A_51] : memref<1x50x128xf32, #tpu.memory_space<vmem>> -> memref<1x50x128xf32, #tpu.memory_space<vmem>>
    %dma_start3A_53 = tpu.memref_squeeze %dma_start3A_52 : memref<1x50x128xf32, #tpu.memory_space<vmem>> -> memref<50x128xf32, #tpu.memory_space<vmem>>
    %dma_start3A_54 = arith.constant 0 : i32
    %dma_start3A_55 = tpu.memref_slice %arg5[%dma_start3A_47, %dma_start3A_54] : memref<128x50xi32, #tpu.memory_space<vmem>> -> memref<1x50xi32, #tpu.memory_space<vmem>>
    %dma_start3A_56 = tpu.memref_squeeze %dma_start3A_55 : memref<1x50xi32, #tpu.memory_space<vmem>> -> memref<50xi32, #tpu.memory_space<vmem>>
    %dma_start3A_57 = arith.constant 0 : i32
    %dma_start3A_58 = arith.constant 0 : i32
    %dma_start3A_59 = tpu.memref_slice %arg3[%dma_start3A_57, %dma_start3A_58] : memref<104353x128xf32, #tpu.memory_space<hbm>> -> memref<104353x128xf32, #tpu.memory_space<hbm>>
    %dma_start3A_60 = tpu.memref_slice %arg14[%dma_start3A_49] : memref<8x!tpu.dma_semaphore, #tpu.memory_space<semaphore_mem>> -> memref<1x!tpu.dma_semaphore, #tpu.memory_space<semaphore_mem>>
    %dma_start3A_61 = tpu.memref_squeeze %dma_start3A_60 : memref<1x!tpu.dma_semaphore, #tpu.memory_space<semaphore_mem>> -> memref<!tpu.dma_semaphore, #tpu.memory_space<semaphore_mem>>
    tpu.enqueue_indirect_dma source(%dma_start3A_59 : memref<104353x128xf32, #tpu.memory_space<hbm>>) target(%dma_start3A_53 : memref<50x128xf32, #tpu.memory_space<vmem>>) offsets(%dma_start3A_56 : memref<50xi32, #tpu.memory_space<vmem>>) semaphore(%dma_start3A_61 : memref<!tpu.dma_semaphore, #tpu.memory_space<semaphore_mem>>)
    %dma_start3A_62 = arith.constant 4 : i32
    %dma_start3A_63 = arith.constant 0 : i32
    %dma_start3A_64 = arith.constant 4 : i32
    %dma_start3A_65 = arith.constant 0 : i32
    %dma_start3A_66 = arith.constant 0 : i32
    %dma_start3A_67 = tpu.memref_slice %arg10[%dma_start3A_63, %dma_start3A_65, %dma_start3A_66] : memref<1x50x128xf32, #tpu.memory_space<vmem>> -> memref<1x50x128xf32, #tpu.memory_space<vmem>>
    %dma_start3A_68 = tpu.memref_squeeze %dma_start3A_67 : memref<1x50x128xf32, #tpu.memory_space<vmem>> -> memref<50x128xf32, #tpu.memory_space<vmem>>
    %dma_start3A_69 = arith.constant 0 : i32
    %dma_start3A_70 = tpu.memref_slice %arg5[%dma_start3A_62, %dma_start3A_69] : memref<128x50xi32, #tpu.memory_space<vmem>> -> memref<1x50xi32, #tpu.memory_space<vmem>>
    %dma_start3A_71 = tpu.memref_squeeze %dma_start3A_70 : memref<1x50xi32, #tpu.memory_space<vmem>> -> memref<50xi32, #tpu.memory_space<vmem>>
    %dma_start3A_72 = arith.constant 0 : i32
    %dma_start3A_73 = arith.constant 0 : i32
    %dma_start3A_74 = tpu.memref_slice %arg3[%dma_start3A_72, %dma_start3A_73] : memref<104353x128xf32, #tpu.memory_space<hbm>> -> memref<104353x128xf32, #tpu.memory_space<hbm>>
    %dma_start3A_75 = tpu.memref_slice %arg14[%dma_start3A_64] : memref<8x!tpu.dma_semaphore, #tpu.memory_space<semaphore_mem>> -> memref<1x!tpu.dma_semaphore, #tpu.memory_space<semaphore_mem>>
    %dma_start3A_76 = tpu.memref_squeeze %dma_start3A_75 : memref<1x!tpu.dma_semaphore, #tpu.memory_space<semaphore_mem>> -> memref<!tpu.dma_semaphore, #tpu.memory_space<semaphore_mem>>
    tpu.enqueue_indirect_dma source(%dma_start3A_74 : memref<104353x128xf32, #tpu.memory_space<hbm>>) target(%dma_start3A_68 : memref<50x128xf32, #tpu.memory_space<vmem>>) offsets(%dma_start3A_71 : memref<50xi32, #tpu.memory_space<vmem>>) semaphore(%dma_start3A_76 : memref<!tpu.dma_semaphore, #tpu.memory_space<semaphore_mem>>)
    %dma_start3A_77 = arith.constant 5 : i32
    %dma_start3A_78 = arith.constant 0 : i32
    %dma_start3A_79 = arith.constant 5 : i32
    %dma_start3A_80 = arith.constant 0 : i32
    %dma_start3A_81 = arith.constant 0 : i32
    %dma_start3A_82 = tpu.memref_slice %arg11[%dma_start3A_78, %dma_start3A_80, %dma_start3A_81] : memref<1x50x128xf32, #tpu.memory_space<vmem>> -> memref<1x50x128xf32, #tpu.memory_space<vmem>>
    %dma_start3A_83 = tpu.memref_squeeze %dma_start3A_82 : memref<1x50x128xf32, #tpu.memory_space<vmem>> -> memref<50x128xf32, #tpu.memory_space<vmem>>
    %dma_start3A_84 = arith.constant 0 : i32
    %dma_start3A_85 = tpu.memref_slice %arg5[%dma_start3A_77, %dma_start3A_84] : memref<128x50xi32, #tpu.memory_space<vmem>> -> memref<1x50xi32, #tpu.memory_space<vmem>>
    %dma_start3A_86 = tpu.memref_squeeze %dma_start3A_85 : memref<1x50xi32, #tpu.memory_space<vmem>> -> memref<50xi32, #tpu.memory_space<vmem>>
    %dma_start3A_87 = arith.constant 0 : i32
    %dma_start3A_88 = arith.constant 0 : i32
    %dma_start3A_89 = tpu.memref_slice %arg3[%dma_start3A_87, %dma_start3A_88] : memref<104353x128xf32, #tpu.memory_space<hbm>> -> memref<104353x128xf32, #tpu.memory_space<hbm>>
    %dma_start3A_90 = tpu.memref_slice %arg14[%dma_start3A_79] : memref<8x!tpu.dma_semaphore, #tpu.memory_space<semaphore_mem>> -> memref<1x!tpu.dma_semaphore, #tpu.memory_space<semaphore_mem>>
    %dma_start3A_91 = tpu.memref_squeeze %dma_start3A_90 : memref<1x!tpu.dma_semaphore, #tpu.memory_space<semaphore_mem>> -> memref<!tpu.dma_semaphore, #tpu.memory_space<semaphore_mem>>
    tpu.enqueue_indirect_dma source(%dma_start3A_89 : memref<104353x128xf32, #tpu.memory_space<hbm>>) target(%dma_start3A_83 : memref<50x128xf32, #tpu.memory_space<vmem>>) offsets(%dma_start3A_86 : memref<50xi32, #tpu.memory_space<vmem>>) semaphore(%dma_start3A_91 : memref<!tpu.dma_semaphore, #tpu.memory_space<semaphore_mem>>)
    %dma_start3A_92 = arith.constant 6 : i32
    %dma_start3A_93 = arith.constant 0 : i32
    %dma_start3A_94 = arith.constant 6 : i32
    %dma_start3A_95 = arith.constant 0 : i32
    %dma_start3A_96 = arith.constant 0 : i32
    %dma_start3A_97 = tpu.memref_slice %arg12[%dma_start3A_93, %dma_start3A_95, %dma_start3A_96] : memref<1x50x128xf32, #tpu.memory_space<vmem>> -> memref<1x50x128xf32, #tpu.memory_space<vmem>>
    %dma_start3A_98 = tpu.memref_squeeze %dma_start3A_97 : memref<1x50x128xf32, #tpu.memory_space<vmem>> -> memref<50x128xf32, #tpu.memory_space<vmem>>
    %dma_start3A_99 = arith.constant 0 : i32
    %dma_start3A_100 = tpu.memref_slice %arg5[%dma_start3A_92, %dma_start3A_99] : memref<128x50xi32, #tpu.memory_space<vmem>> -> memref<1x50xi32, #tpu.memory_space<vmem>>
    %dma_start3A_101 = tpu.memref_squeeze %dma_start3A_100 : memref<1x50xi32, #tpu.memory_space<vmem>> -> memref<50xi32, #tpu.memory_space<vmem>>
    %dma_start3A_102 = arith.constant 0 : i32
    %dma_start3A_103 = arith.constant 0 : i32
    %dma_start3A_104 = tpu.memref_slice %arg3[%dma_start3A_102, %dma_start3A_103] : memref<104353x128xf32, #tpu.memory_space<hbm>> -> memref<104353x128xf32, #tpu.memory_space<hbm>>
    %dma_start3A_105 = tpu.memref_slice %arg14[%dma_start3A_94] : memref<8x!tpu.dma_semaphore, #tpu.memory_space<semaphore_mem>> -> memref<1x!tpu.dma_semaphore, #tpu.memory_space<semaphore_mem>>
    %dma_start3A_106 = tpu.memref_squeeze %dma_start3A_105 : memref<1x!tpu.dma_semaphore, #tpu.memory_space<semaphore_mem>> -> memref<!tpu.dma_semaphore, #tpu.memory_space<semaphore_mem>>
    tpu.enqueue_indirect_dma source(%dma_start3A_104 : memref<104353x128xf32, #tpu.memory_space<hbm>>) target(%dma_start3A_98 : memref<50x128xf32, #tpu.memory_space<vmem>>) offsets(%dma_start3A_101 : memref<50xi32, #tpu.memory_space<vmem>>) semaphore(%dma_start3A_106 : memref<!tpu.dma_semaphore, #tpu.memory_space<semaphore_mem>>)
    %dma_start3A_107 = arith.constant 7 : i32
    %dma_start3A_108 = arith.constant 0 : i32
    %dma_start3A_109 = arith.constant 7 : i32
    %dma_start3A_110 = arith.constant 0 : i32
    %dma_start3A_111 = arith.constant 0 : i32
    %dma_start3A_112 = tpu.memref_slice %arg13[%dma_start3A_108, %dma_start3A_110, %dma_start3A_111] : memref<1x50x128xf32, #tpu.memory_space<vmem>> -> memref<1x50x128xf32, #tpu.memory_space<vmem>>
    %dma_start3A_113 = tpu.memref_squeeze %dma_start3A_112 : memref<1x50x128xf32, #tpu.memory_space<vmem>> -> memref<50x128xf32, #tpu.memory_space<vmem>>
    %dma_start3A_114 = arith.constant 0 : i32
    %dma_start3A_115 = tpu.memref_slice %arg5[%dma_start3A_107, %dma_start3A_114] : memref<128x50xi32, #tpu.memory_space<vmem>> -> memref<1x50xi32, #tpu.memory_space<vmem>>
    %dma_start3A_116 = tpu.memref_squeeze %dma_start3A_115 : memref<1x50xi32, #tpu.memory_space<vmem>> -> memref<50xi32, #tpu.memory_space<vmem>>
    %dma_start3A_117 = arith.constant 0 : i32
    %dma_start3A_118 = arith.constant 0 : i32
    %dma_start3A_119 = tpu.memref_slice %arg3[%dma_start3A_117, %dma_start3A_118] : memref<104353x128xf32, #tpu.memory_space<hbm>> -> memref<104353x128xf32, #tpu.memory_space<hbm>>
    %dma_start3A_120 = tpu.memref_slice %arg14[%dma_start3A_109] : memref<8x!tpu.dma_semaphore, #tpu.memory_space<semaphore_mem>> -> memref<1x!tpu.dma_semaphore, #tpu.memory_space<semaphore_mem>>
    %dma_start3A_121 = tpu.memref_squeeze %dma_start3A_120 : memref<1x!tpu.dma_semaphore, #tpu.memory_space<semaphore_mem>> -> memref<!tpu.dma_semaphore, #tpu.memory_space<semaphore_mem>>
    tpu.enqueue_indirect_dma source(%dma_start3A_119 : memref<104353x128xf32, #tpu.memory_space<hbm>>) target(%dma_start3A_113 : memref<50x128xf32, #tpu.memory_space<vmem>>) offsets(%dma_start3A_116 : memref<50xi32, #tpu.memory_space<vmem>>) semaphore(%dma_start3A_121 : memref<!tpu.dma_semaphore, #tpu.memory_space<semaphore_mem>>)
    %scan3A = arith.constant 0 : i32
    %scan3A_122 = arith.constant 0 : i32
    %scan3A_123 = arith.constant 15 : i32
    %scan3A_124 = arith.addi %scan3A_122, %scan3A_123 : i32
    %scan3A_125 = arith.constant 1 : i32
    scf.for %scan3A_422 = %scan3A_122 to %scan3A_124 step %scan3A_125  : i32 {
      %mul3A_423 = arith.constant 8 : i32
      %mul3A_424 = arith.muli %scan3A_422, %mul3A_423 : i32
      %add3A_425 = arith.constant 0 : i32
      %add3A_426 = arith.addi %mul3A_424, %add3A_425 : i32
      %dma_wait3A_427 = arith.constant 0 : i32
      %dma_wait3A_428 = arith.constant 0 : i32
      %dma_wait3A_429 = arith.constant 0 : i32
      %dma_wait3A_430 = arith.constant 0 : i32
      %dma_wait3A_431 = tpu.memref_slice %arg6[%dma_wait3A_427, %dma_wait3A_429, %dma_wait3A_430] : memref<1x50x128xf32, #tpu.memory_space<vmem>> -> memref<1x50x128xf32, #tpu.memory_space<vmem>>
      %dma_wait3A_432 = tpu.memref_squeeze %dma_wait3A_431 : memref<1x50x128xf32, #tpu.memory_space<vmem>> -> memref<50x128xf32, #tpu.memory_space<vmem>>
      %dma_wait3A_433 = arith.constant 0 : i32
      %dma_wait3A_434 = tpu.memref_slice %arg5[%add3A_426, %dma_wait3A_433] : memref<128x50xi32, #tpu.memory_space<vmem>> -> memref<1x50xi32, #tpu.memory_space<vmem>>
      %dma_wait3A_435 = tpu.memref_squeeze %dma_wait3A_434 : memref<1x50xi32, #tpu.memory_space<vmem>> -> memref<50xi32, #tpu.memory_space<vmem>>
      %dma_wait3A_436 = arith.constant 0 : i32
      %dma_wait3A_437 = arith.constant 0 : i32
      %dma_wait3A_438 = tpu.memref_slice %arg3[%dma_wait3A_436, %dma_wait3A_437] : memref<104353x128xf32, #tpu.memory_space<hbm>> -> memref<104353x128xf32, #tpu.memory_space<hbm>>
      %dma_wait3A_439 = tpu.memref_slice %arg14[%dma_wait3A_428] : memref<8x!tpu.dma_semaphore, #tpu.memory_space<semaphore_mem>> -> memref<1x!tpu.dma_semaphore, #tpu.memory_space<semaphore_mem>>
      %dma_wait3A_440 = tpu.memref_squeeze %dma_wait3A_439 : memref<1x!tpu.dma_semaphore, #tpu.memory_space<semaphore_mem>> -> memref<!tpu.dma_semaphore, #tpu.memory_space<semaphore_mem>>
      tpu.wait_indirect_dma semaphore(%dma_wait3A_440 : memref<!tpu.dma_semaphore, #tpu.memory_space<semaphore_mem>>) src(%dma_wait3A_438 : memref<104353x128xf32, #tpu.memory_space<hbm>>) dst(%dma_wait3A_432 : memref<50x128xf32, #tpu.memory_space<vmem>>)
      %add3A_441 = arith.addi %mul3A_2, %add3A_426 : i32
      %dma_start3A_442 = arith.constant 0 : i32
      %dma_start3A_443 = arith.constant 0 : i32
      %dma_start3A_444 = arith.constant 0 : i32
      %dma_start3A_445 = tpu.memref_slice %arg4[%add3A_441, %dma_start3A_443, %dma_start3A_444] : memref<4096x50x128xf32, #tpu.memory_space<hbm>> -> memref<1x50x128xf32, #tpu.memory_space<hbm>>
      %dma_start3A_446 = tpu.memref_slice %arg15[%dma_start3A_442] : memref<8x!tpu.dma_semaphore, #tpu.memory_space<semaphore_mem>> -> memref<1x!tpu.dma_semaphore, #tpu.memory_space<semaphore_mem>>
      %dma_start3A_447 = tpu.memref_squeeze %dma_start3A_446 : memref<1x!tpu.dma_semaphore, #tpu.memory_space<semaphore_mem>> -> memref<!tpu.dma_semaphore, #tpu.memory_space<semaphore_mem>>
      %dma_start3A_448 = arith.constant 0 : i32
      %dma_start3A_449 = arith.constant 0 : i32
      %dma_start3A_450 = tpu.memref_slice %arg4[%add3A_441, %dma_start3A_448, %dma_start3A_449] : memref<4096x50x128xf32, #tpu.memory_space<hbm>> -> memref<1x50x128xf32, #tpu.memory_space<hbm>>
      tpu.enqueue_dma source(%arg6 : memref<1x50x128xf32, #tpu.memory_space<vmem>>) target(%dma_start3A_450 : memref<1x50x128xf32, #tpu.memory_space<hbm>>) target_semaphore(%dma_start3A_447 : memref<!tpu.dma_semaphore, #tpu.memory_space<semaphore_mem>>)
      %mul3A_451 = arith.constant 8 : i32
      %mul3A_452 = arith.muli %scan3A_422, %mul3A_451 : i32
      %add3A_453 = arith.constant 1 : i32
      %add3A_454 = arith.addi %mul3A_452, %add3A_453 : i32
      %dma_wait3A_455 = arith.constant 0 : i32
      %dma_wait3A_456 = arith.constant 1 : i32
      %dma_wait3A_457 = arith.constant 0 : i32
      %dma_wait3A_458 = arith.constant 0 : i32
      %dma_wait3A_459 = tpu.memref_slice %arg7[%dma_wait3A_455, %dma_wait3A_457, %dma_wait3A_458] : memref<1x50x128xf32, #tpu.memory_space<vmem>> -> memref<1x50x128xf32, #tpu.memory_space<vmem>>
      %dma_wait3A_460 = tpu.memref_squeeze %dma_wait3A_459 : memref<1x50x128xf32, #tpu.memory_space<vmem>> -> memref<50x128xf32, #tpu.memory_space<vmem>>
      %dma_wait3A_461 = arith.constant 0 : i32
      %dma_wait3A_462 = tpu.memref_slice %arg5[%add3A_454, %dma_wait3A_461] : memref<128x50xi32, #tpu.memory_space<vmem>> -> memref<1x50xi32, #tpu.memory_space<vmem>>
      %dma_wait3A_463 = tpu.memref_squeeze %dma_wait3A_462 : memref<1x50xi32, #tpu.memory_space<vmem>> -> memref<50xi32, #tpu.memory_space<vmem>>
      %dma_wait3A_464 = arith.constant 0 : i32
      %dma_wait3A_465 = arith.constant 0 : i32
      %dma_wait3A_466 = tpu.memref_slice %arg3[%dma_wait3A_464, %dma_wait3A_465] : memref<104353x128xf32, #tpu.memory_space<hbm>> -> memref<104353x128xf32, #tpu.memory_space<hbm>>
      %dma_wait3A_467 = tpu.memref_slice %arg14[%dma_wait3A_456] : memref<8x!tpu.dma_semaphore, #tpu.memory_space<semaphore_mem>> -> memref<1x!tpu.dma_semaphore, #tpu.memory_space<semaphore_mem>>
      %dma_wait3A_468 = tpu.memref_squeeze %dma_wait3A_467 : memref<1x!tpu.dma_semaphore, #tpu.memory_space<semaphore_mem>> -> memref<!tpu.dma_semaphore, #tpu.memory_space<semaphore_mem>>
      tpu.wait_indirect_dma semaphore(%dma_wait3A_468 : memref<!tpu.dma_semaphore, #tpu.memory_space<semaphore_mem>>) src(%dma_wait3A_466 : memref<104353x128xf32, #tpu.memory_space<hbm>>) dst(%dma_wait3A_460 : memref<50x128xf32, #tpu.memory_space<vmem>>)
      %add3A_469 = arith.addi %mul3A_2, %add3A_454 : i32
      %dma_start3A_470 = arith.constant 1 : i32
      %dma_start3A_471 = arith.constant 0 : i32
      %dma_start3A_472 = arith.constant 0 : i32
      %dma_start3A_473 = tpu.memref_slice %arg4[%add3A_469, %dma_start3A_471, %dma_start3A_472] : memref<4096x50x128xf32, #tpu.memory_space<hbm>> -> memref<1x50x128xf32, #tpu.memory_space<hbm>>
      %dma_start3A_474 = tpu.memref_slice %arg15[%dma_start3A_470] : memref<8x!tpu.dma_semaphore, #tpu.memory_space<semaphore_mem>> -> memref<1x!tpu.dma_semaphore, #tpu.memory_space<semaphore_mem>>
      %dma_start3A_475 = tpu.memref_squeeze %dma_start3A_474 : memref<1x!tpu.dma_semaphore, #tpu.memory_space<semaphore_mem>> -> memref<!tpu.dma_semaphore, #tpu.memory_space<semaphore_mem>>
      %dma_start3A_476 = arith.constant 0 : i32
      %dma_start3A_477 = arith.constant 0 : i32
      %dma_start3A_478 = tpu.memref_slice %arg4[%add3A_469, %dma_start3A_476, %dma_start3A_477] : memref<4096x50x128xf32, #tpu.memory_space<hbm>> -> memref<1x50x128xf32, #tpu.memory_space<hbm>>
      tpu.enqueue_dma source(%arg7 : memref<1x50x128xf32, #tpu.memory_space<vmem>>) target(%dma_start3A_478 : memref<1x50x128xf32, #tpu.memory_space<hbm>>) target_semaphore(%dma_start3A_475 : memref<!tpu.dma_semaphore, #tpu.memory_space<semaphore_mem>>)
      %mul3A_479 = arith.constant 8 : i32
      %mul3A_480 = arith.muli %scan3A_422, %mul3A_479 : i32
      %add3A_481 = arith.constant 2 : i32
      %add3A_482 = arith.addi %mul3A_480, %add3A_481 : i32
      %dma_wait3A_483 = arith.constant 0 : i32
      %dma_wait3A_484 = arith.constant 2 : i32
      %dma_wait3A_485 = arith.constant 0 : i32
      %dma_wait3A_486 = arith.constant 0 : i32
      %dma_wait3A_487 = tpu.memref_slice %arg8[%dma_wait3A_483, %dma_wait3A_485, %dma_wait3A_486] : memref<1x50x128xf32, #tpu.memory_space<vmem>> -> memref<1x50x128xf32, #tpu.memory_space<vmem>>
      %dma_wait3A_488 = tpu.memref_squeeze %dma_wait3A_487 : memref<1x50x128xf32, #tpu.memory_space<vmem>> -> memref<50x128xf32, #tpu.memory_space<vmem>>
      %dma_wait3A_489 = arith.constant 0 : i32
      %dma_wait3A_490 = tpu.memref_slice %arg5[%add3A_482, %dma_wait3A_489] : memref<128x50xi32, #tpu.memory_space<vmem>> -> memref<1x50xi32, #tpu.memory_space<vmem>>
      %dma_wait3A_491 = tpu.memref_squeeze %dma_wait3A_490 : memref<1x50xi32, #tpu.memory_space<vmem>> -> memref<50xi32, #tpu.memory_space<vmem>>
      %dma_wait3A_492 = arith.constant 0 : i32
      %dma_wait3A_493 = arith.constant 0 : i32
      %dma_wait3A_494 = tpu.memref_slice %arg3[%dma_wait3A_492, %dma_wait3A_493] : memref<104353x128xf32, #tpu.memory_space<hbm>> -> memref<104353x128xf32, #tpu.memory_space<hbm>>
      %dma_wait3A_495 = tpu.memref_slice %arg14[%dma_wait3A_484] : memref<8x!tpu.dma_semaphore, #tpu.memory_space<semaphore_mem>> -> memref<1x!tpu.dma_semaphore, #tpu.memory_space<semaphore_mem>>
      %dma_wait3A_496 = tpu.memref_squeeze %dma_wait3A_495 : memref<1x!tpu.dma_semaphore, #tpu.memory_space<semaphore_mem>> -> memref<!tpu.dma_semaphore, #tpu.memory_space<semaphore_mem>>
      tpu.wait_indirect_dma semaphore(%dma_wait3A_496 : memref<!tpu.dma_semaphore, #tpu.memory_space<semaphore_mem>>) src(%dma_wait3A_494 : memref<104353x128xf32, #tpu.memory_space<hbm>>) dst(%dma_wait3A_488 : memref<50x128xf32, #tpu.memory_space<vmem>>)
      %add3A_497 = arith.addi %mul3A_2, %add3A_482 : i32
      %dma_start3A_498 = arith.constant 2 : i32
      %dma_start3A_499 = arith.constant 0 : i32
      %dma_start3A_500 = arith.constant 0 : i32
      %dma_start3A_501 = tpu.memref_slice %arg4[%add3A_497, %dma_start3A_499, %dma_start3A_500] : memref<4096x50x128xf32, #tpu.memory_space<hbm>> -> memref<1x50x128xf32, #tpu.memory_space<hbm>>
      %dma_start3A_502 = tpu.memref_slice %arg15[%dma_start3A_498] : memref<8x!tpu.dma_semaphore, #tpu.memory_space<semaphore_mem>> -> memref<1x!tpu.dma_semaphore, #tpu.memory_space<semaphore_mem>>
      %dma_start3A_503 = tpu.memref_squeeze %dma_start3A_502 : memref<1x!tpu.dma_semaphore, #tpu.memory_space<semaphore_mem>> -> memref<!tpu.dma_semaphore, #tpu.memory_space<semaphore_mem>>
      %dma_start3A_504 = arith.constant 0 : i32
      %dma_start3A_505 = arith.constant 0 : i32
      %dma_start3A_506 = tpu.memref_slice %arg4[%add3A_497, %dma_start3A_504, %dma_start3A_505] : memref<4096x50x128xf32, #tpu.memory_space<hbm>> -> memref<1x50x128xf32, #tpu.memory_space<hbm>>
      tpu.enqueue_dma source(%arg8 : memref<1x50x128xf32, #tpu.memory_space<vmem>>) target(%dma_start3A_506 : memref<1x50x128xf32, #tpu.memory_space<hbm>>) target_semaphore(%dma_start3A_503 : memref<!tpu.dma_semaphore, #tpu.memory_space<semaphore_mem>>)
      %mul3A_507 = arith.constant 8 : i32
      %mul3A_508 = arith.muli %scan3A_422, %mul3A_507 : i32
      %add3A_509 = arith.constant 3 : i32
      %add3A_510 = arith.addi %mul3A_508, %add3A_509 : i32
      %dma_wait3A_511 = arith.constant 0 : i32
      %dma_wait3A_512 = arith.constant 3 : i32
      %dma_wait3A_513 = arith.constant 0 : i32
      %dma_wait3A_514 = arith.constant 0 : i32
      %dma_wait3A_515 = tpu.memref_slice %arg9[%dma_wait3A_511, %dma_wait3A_513, %dma_wait3A_514] : memref<1x50x128xf32, #tpu.memory_space<vmem>> -> memref<1x50x128xf32, #tpu.memory_space<vmem>>
      %dma_wait3A_516 = tpu.memref_squeeze %dma_wait3A_515 : memref<1x50x128xf32, #tpu.memory_space<vmem>> -> memref<50x128xf32, #tpu.memory_space<vmem>>
      %dma_wait3A_517 = arith.constant 0 : i32
      %dma_wait3A_518 = tpu.memref_slice %arg5[%add3A_510, %dma_wait3A_517] : memref<128x50xi32, #tpu.memory_space<vmem>> -> memref<1x50xi32, #tpu.memory_space<vmem>>
      %dma_wait3A_519 = tpu.memref_squeeze %dma_wait3A_518 : memref<1x50xi32, #tpu.memory_space<vmem>> -> memref<50xi32, #tpu.memory_space<vmem>>
      %dma_wait3A_520 = arith.constant 0 : i32
      %dma_wait3A_521 = arith.constant 0 : i32
      %dma_wait3A_522 = tpu.memref_slice %arg3[%dma_wait3A_520, %dma_wait3A_521] : memref<104353x128xf32, #tpu.memory_space<hbm>> -> memref<104353x128xf32, #tpu.memory_space<hbm>>
      %dma_wait3A_523 = tpu.memref_slice %arg14[%dma_wait3A_512] : memref<8x!tpu.dma_semaphore, #tpu.memory_space<semaphore_mem>> -> memref<1x!tpu.dma_semaphore, #tpu.memory_space<semaphore_mem>>
      %dma_wait3A_524 = tpu.memref_squeeze %dma_wait3A_523 : memref<1x!tpu.dma_semaphore, #tpu.memory_space<semaphore_mem>> -> memref<!tpu.dma_semaphore, #tpu.memory_space<semaphore_mem>>
      tpu.wait_indirect_dma semaphore(%dma_wait3A_524 : memref<!tpu.dma_semaphore, #tpu.memory_space<semaphore_mem>>) src(%dma_wait3A_522 : memref<104353x128xf32, #tpu.memory_space<hbm>>) dst(%dma_wait3A_516 : memref<50x128xf32, #tpu.memory_space<vmem>>)
      %add3A_525 = arith.addi %mul3A_2, %add3A_510 : i32
      %dma_start3A_526 = arith.constant 3 : i32
      %dma_start3A_527 = arith.constant 0 : i32
      %dma_start3A_528 = arith.constant 0 : i32
      %dma_start3A_529 = tpu.memref_slice %arg4[%add3A_525, %dma_start3A_527, %dma_start3A_528] : memref<4096x50x128xf32, #tpu.memory_space<hbm>> -> memref<1x50x128xf32, #tpu.memory_space<hbm>>
      %dma_start3A_530 = tpu.memref_slice %arg15[%dma_start3A_526] : memref<8x!tpu.dma_semaphore, #tpu.memory_space<semaphore_mem>> -> memref<1x!tpu.dma_semaphore, #tpu.memory_space<semaphore_mem>>
      %dma_start3A_531 = tpu.memref_squeeze %dma_start3A_530 : memref<1x!tpu.dma_semaphore, #tpu.memory_space<semaphore_mem>> -> memref<!tpu.dma_semaphore, #tpu.memory_space<semaphore_mem>>
      %dma_start3A_532 = arith.constant 0 : i32
      %dma_start3A_533 = arith.constant 0 : i32
      %dma_start3A_534 = tpu.memref_slice %arg4[%add3A_525, %dma_start3A_532, %dma_start3A_533] : memref<4096x50x128xf32, #tpu.memory_space<hbm>> -> memref<1x50x128xf32, #tpu.memory_space<hbm>>
      tpu.enqueue_dma source(%arg9 : memref<1x50x128xf32, #tpu.memory_space<vmem>>) target(%dma_start3A_534 : memref<1x50x128xf32, #tpu.memory_space<hbm>>) target_semaphore(%dma_start3A_531 : memref<!tpu.dma_semaphore, #tpu.memory_space<semaphore_mem>>)
      %mul3A_535 = arith.constant 8 : i32
      %mul3A_536 = arith.muli %scan3A_422, %mul3A_535 : i32
      %add3A_537 = arith.constant 4 : i32
      %add3A_538 = arith.addi %mul3A_536, %add3A_537 : i32
      %dma_wait3A_539 = arith.constant 0 : i32
      %dma_wait3A_540 = arith.constant 4 : i32
      %dma_wait3A_541 = arith.constant 0 : i32
      %dma_wait3A_542 = arith.constant 0 : i32
      %dma_wait3A_543 = tpu.memref_slice %arg10[%dma_wait3A_539, %dma_wait3A_541, %dma_wait3A_542] : memref<1x50x128xf32, #tpu.memory_space<vmem>> -> memref<1x50x128xf32, #tpu.memory_space<vmem>>
      %dma_wait3A_544 = tpu.memref_squeeze %dma_wait3A_543 : memref<1x50x128xf32, #tpu.memory_space<vmem>> -> memref<50x128xf32, #tpu.memory_space<vmem>>
      %dma_wait3A_545 = arith.constant 0 : i32
      %dma_wait3A_546 = tpu.memref_slice %arg5[%add3A_538, %dma_wait3A_545] : memref<128x50xi32, #tpu.memory_space<vmem>> -> memref<1x50xi32, #tpu.memory_space<vmem>>
      %dma_wait3A_547 = tpu.memref_squeeze %dma_wait3A_546 : memref<1x50xi32, #tpu.memory_space<vmem>> -> memref<50xi32, #tpu.memory_space<vmem>>
      %dma_wait3A_548 = arith.constant 0 : i32
      %dma_wait3A_549 = arith.constant 0 : i32
      %dma_wait3A_550 = tpu.memref_slice %arg3[%dma_wait3A_548, %dma_wait3A_549] : memref<104353x128xf32, #tpu.memory_space<hbm>> -> memref<104353x128xf32, #tpu.memory_space<hbm>>
      %dma_wait3A_551 = tpu.memref_slice %arg14[%dma_wait3A_540] : memref<8x!tpu.dma_semaphore, #tpu.memory_space<semaphore_mem>> -> memref<1x!tpu.dma_semaphore, #tpu.memory_space<semaphore_mem>>
      %dma_wait3A_552 = tpu.memref_squeeze %dma_wait3A_551 : memref<1x!tpu.dma_semaphore, #tpu.memory_space<semaphore_mem>> -> memref<!tpu.dma_semaphore, #tpu.memory_space<semaphore_mem>>
      tpu.wait_indirect_dma semaphore(%dma_wait3A_552 : memref<!tpu.dma_semaphore, #tpu.memory_space<semaphore_mem>>) src(%dma_wait3A_550 : memref<104353x128xf32, #tpu.memory_space<hbm>>) dst(%dma_wait3A_544 : memref<50x128xf32, #tpu.memory_space<vmem>>)
      %add3A_553 = arith.addi %mul3A_2, %add3A_538 : i32
      %dma_start3A_554 = arith.constant 4 : i32
      %dma_start3A_555 = arith.constant 0 : i32
      %dma_start3A_556 = arith.constant 0 : i32
      %dma_start3A_557 = tpu.memref_slice %arg4[%add3A_553, %dma_start3A_555, %dma_start3A_556] : memref<4096x50x128xf32, #tpu.memory_space<hbm>> -> memref<1x50x128xf32, #tpu.memory_space<hbm>>
      %dma_start3A_558 = tpu.memref_slice %arg15[%dma_start3A_554] : memref<8x!tpu.dma_semaphore, #tpu.memory_space<semaphore_mem>> -> memref<1x!tpu.dma_semaphore, #tpu.memory_space<semaphore_mem>>
      %dma_start3A_559 = tpu.memref_squeeze %dma_start3A_558 : memref<1x!tpu.dma_semaphore, #tpu.memory_space<semaphore_mem>> -> memref<!tpu.dma_semaphore, #tpu.memory_space<semaphore_mem>>
      %dma_start3A_560 = arith.constant 0 : i32
      %dma_start3A_561 = arith.constant 0 : i32
      %dma_start3A_562 = tpu.memref_slice %arg4[%add3A_553, %dma_start3A_560, %dma_start3A_561] : memref<4096x50x128xf32, #tpu.memory_space<hbm>> -> memref<1x50x128xf32, #tpu.memory_space<hbm>>
      tpu.enqueue_dma source(%arg10 : memref<1x50x128xf32, #tpu.memory_space<vmem>>) target(%dma_start3A_562 : memref<1x50x128xf32, #tpu.memory_space<hbm>>) target_semaphore(%dma_start3A_559 : memref<!tpu.dma_semaphore, #tpu.memory_space<semaphore_mem>>)
      %mul3A_563 = arith.constant 8 : i32
      %mul3A_564 = arith.muli %scan3A_422, %mul3A_563 : i32
      %add3A_565 = arith.constant 5 : i32
      %add3A_566 = arith.addi %mul3A_564, %add3A_565 : i32
      %dma_wait3A_567 = arith.constant 0 : i32
      %dma_wait3A_568 = arith.constant 5 : i32
      %dma_wait3A_569 = arith.constant 0 : i32
      %dma_wait3A_570 = arith.constant 0 : i32
      %dma_wait3A_571 = tpu.memref_slice %arg11[%dma_wait3A_567, %dma_wait3A_569, %dma_wait3A_570] : memref<1x50x128xf32, #tpu.memory_space<vmem>> -> memref<1x50x128xf32, #tpu.memory_space<vmem>>
      %dma_wait3A_572 = tpu.memref_squeeze %dma_wait3A_571 : memref<1x50x128xf32, #tpu.memory_space<vmem>> -> memref<50x128xf32, #tpu.memory_space<vmem>>
      %dma_wait3A_573 = arith.constant 0 : i32
      %dma_wait3A_574 = tpu.memref_slice %arg5[%add3A_566, %dma_wait3A_573] : memref<128x50xi32, #tpu.memory_space<vmem>> -> memref<1x50xi32, #tpu.memory_space<vmem>>
      %dma_wait3A_575 = tpu.memref_squeeze %dma_wait3A_574 : memref<1x50xi32, #tpu.memory_space<vmem>> -> memref<50xi32, #tpu.memory_space<vmem>>
      %dma_wait3A_576 = arith.constant 0 : i32
      %dma_wait3A_577 = arith.constant 0 : i32
      %dma_wait3A_578 = tpu.memref_slice %arg3[%dma_wait3A_576, %dma_wait3A_577] : memref<104353x128xf32, #tpu.memory_space<hbm>> -> memref<104353x128xf32, #tpu.memory_space<hbm>>
      %dma_wait3A_579 = tpu.memref_slice %arg14[%dma_wait3A_568] : memref<8x!tpu.dma_semaphore, #tpu.memory_space<semaphore_mem>> -> memref<1x!tpu.dma_semaphore, #tpu.memory_space<semaphore_mem>>
      %dma_wait3A_580 = tpu.memref_squeeze %dma_wait3A_579 : memref<1x!tpu.dma_semaphore, #tpu.memory_space<semaphore_mem>> -> memref<!tpu.dma_semaphore, #tpu.memory_space<semaphore_mem>>
      tpu.wait_indirect_dma semaphore(%dma_wait3A_580 : memref<!tpu.dma_semaphore, #tpu.memory_space<semaphore_mem>>) src(%dma_wait3A_578 : memref<104353x128xf32, #tpu.memory_space<hbm>>) dst(%dma_wait3A_572 : memref<50x128xf32, #tpu.memory_space<vmem>>)
      %add3A_581 = arith.addi %mul3A_2, %add3A_566 : i32
      %dma_start3A_582 = arith.constant 5 : i32
      %dma_start3A_583 = arith.constant 0 : i32
      %dma_start3A_584 = arith.constant 0 : i32
      %dma_start3A_585 = tpu.memref_slice %arg4[%add3A_581, %dma_start3A_583, %dma_start3A_584] : memref<4096x50x128xf32, #tpu.memory_space<hbm>> -> memref<1x50x128xf32, #tpu.memory_space<hbm>>
      %dma_start3A_586 = tpu.memref_slice %arg15[%dma_start3A_582] : memref<8x!tpu.dma_semaphore, #tpu.memory_space<semaphore_mem>> -> memref<1x!tpu.dma_semaphore, #tpu.memory_space<semaphore_mem>>
      %dma_start3A_587 = tpu.memref_squeeze %dma_start3A_586 : memref<1x!tpu.dma_semaphore, #tpu.memory_space<semaphore_mem>> -> memref<!tpu.dma_semaphore, #tpu.memory_space<semaphore_mem>>
      %dma_start3A_588 = arith.constant 0 : i32
      %dma_start3A_589 = arith.constant 0 : i32
      %dma_start3A_590 = tpu.memref_slice %arg4[%add3A_581, %dma_start3A_588, %dma_start3A_589] : memref<4096x50x128xf32, #tpu.memory_space<hbm>> -> memref<1x50x128xf32, #tpu.memory_space<hbm>>
      tpu.enqueue_dma source(%arg11 : memref<1x50x128xf32, #tpu.memory_space<vmem>>) target(%dma_start3A_590 : memref<1x50x128xf32, #tpu.memory_space<hbm>>) target_semaphore(%dma_start3A_587 : memref<!tpu.dma_semaphore, #tpu.memory_space<semaphore_mem>>)
      %mul3A_591 = arith.constant 8 : i32
      %mul3A_592 = arith.muli %scan3A_422, %mul3A_591 : i32
      %add3A_593 = arith.constant 6 : i32
      %add3A_594 = arith.addi %mul3A_592, %add3A_593 : i32
      %dma_wait3A_595 = arith.constant 0 : i32
      %dma_wait3A_596 = arith.constant 6 : i32
      %dma_wait3A_597 = arith.constant 0 : i32
      %dma_wait3A_598 = arith.constant 0 : i32
      %dma_wait3A_599 = tpu.memref_slice %arg12[%dma_wait3A_595, %dma_wait3A_597, %dma_wait3A_598] : memref<1x50x128xf32, #tpu.memory_space<vmem>> -> memref<1x50x128xf32, #tpu.memory_space<vmem>>
      %dma_wait3A_600 = tpu.memref_squeeze %dma_wait3A_599 : memref<1x50x128xf32, #tpu.memory_space<vmem>> -> memref<50x128xf32, #tpu.memory_space<vmem>>
      %dma_wait3A_601 = arith.constant 0 : i32
      %dma_wait3A_602 = tpu.memref_slice %arg5[%add3A_594, %dma_wait3A_601] : memref<128x50xi32, #tpu.memory_space<vmem>> -> memref<1x50xi32, #tpu.memory_space<vmem>>
      %dma_wait3A_603 = tpu.memref_squeeze %dma_wait3A_602 : memref<1x50xi32, #tpu.memory_space<vmem>> -> memref<50xi32, #tpu.memory_space<vmem>>
      %dma_wait3A_604 = arith.constant 0 : i32
      %dma_wait3A_605 = arith.constant 0 : i32
      %dma_wait3A_606 = tpu.memref_slice %arg3[%dma_wait3A_604, %dma_wait3A_605] : memref<104353x128xf32, #tpu.memory_space<hbm>> -> memref<104353x128xf32, #tpu.memory_space<hbm>>
      %dma_wait3A_607 = tpu.memref_slice %arg14[%dma_wait3A_596] : memref<8x!tpu.dma_semaphore, #tpu.memory_space<semaphore_mem>> -> memref<1x!tpu.dma_semaphore, #tpu.memory_space<semaphore_mem>>
      %dma_wait3A_608 = tpu.memref_squeeze %dma_wait3A_607 : memref<1x!tpu.dma_semaphore, #tpu.memory_space<semaphore_mem>> -> memref<!tpu.dma_semaphore, #tpu.memory_space<semaphore_mem>>
      tpu.wait_indirect_dma semaphore(%dma_wait3A_608 : memref<!tpu.dma_semaphore, #tpu.memory_space<semaphore_mem>>) src(%dma_wait3A_606 : memref<104353x128xf32, #tpu.memory_space<hbm>>) dst(%dma_wait3A_600 : memref<50x128xf32, #tpu.memory_space<vmem>>)
      %add3A_609 = arith.addi %mul3A_2, %add3A_594 : i32
      %dma_start3A_610 = arith.constant 6 : i32
      %dma_start3A_611 = arith.constant 0 : i32
      %dma_start3A_612 = arith.constant 0 : i32
      %dma_start3A_613 = tpu.memref_slice %arg4[%add3A_609, %dma_start3A_611, %dma_start3A_612] : memref<4096x50x128xf32, #tpu.memory_space<hbm>> -> memref<1x50x128xf32, #tpu.memory_space<hbm>>
      %dma_start3A_614 = tpu.memref_slice %arg15[%dma_start3A_610] : memref<8x!tpu.dma_semaphore, #tpu.memory_space<semaphore_mem>> -> memref<1x!tpu.dma_semaphore, #tpu.memory_space<semaphore_mem>>
      %dma_start3A_615 = tpu.memref_squeeze %dma_start3A_614 : memref<1x!tpu.dma_semaphore, #tpu.memory_space<semaphore_mem>> -> memref<!tpu.dma_semaphore, #tpu.memory_space<semaphore_mem>>
      %dma_start3A_616 = arith.constant 0 : i32
      %dma_start3A_617 = arith.constant 0 : i32
      %dma_start3A_618 = tpu.memref_slice %arg4[%add3A_609, %dma_start3A_616, %dma_start3A_617] : memref<4096x50x128xf32, #tpu.memory_space<hbm>> -> memref<1x50x128xf32, #tpu.memory_space<hbm>>
      tpu.enqueue_dma source(%arg12 : memref<1x50x128xf32, #tpu.memory_space<vmem>>) target(%dma_start3A_618 : memref<1x50x128xf32, #tpu.memory_space<hbm>>) target_semaphore(%dma_start3A_615 : memref<!tpu.dma_semaphore, #tpu.memory_space<semaphore_mem>>)
      %mul3A_619 = arith.constant 8 : i32
      %mul3A_620 = arith.muli %scan3A_422, %mul3A_619 : i32
      %add3A_621 = arith.constant 7 : i32
      %add3A_622 = arith.addi %mul3A_620, %add3A_621 : i32
      %dma_wait3A_623 = arith.constant 0 : i32
      %dma_wait3A_624 = arith.constant 7 : i32
      %dma_wait3A_625 = arith.constant 0 : i32
      %dma_wait3A_626 = arith.constant 0 : i32
      %dma_wait3A_627 = tpu.memref_slice %arg13[%dma_wait3A_623, %dma_wait3A_625, %dma_wait3A_626] : memref<1x50x128xf32, #tpu.memory_space<vmem>> -> memref<1x50x128xf32, #tpu.memory_space<vmem>>
      %dma_wait3A_628 = tpu.memref_squeeze %dma_wait3A_627 : memref<1x50x128xf32, #tpu.memory_space<vmem>> -> memref<50x128xf32, #tpu.memory_space<vmem>>
      %dma_wait3A_629 = arith.constant 0 : i32
      %dma_wait3A_630 = tpu.memref_slice %arg5[%add3A_622, %dma_wait3A_629] : memref<128x50xi32, #tpu.memory_space<vmem>> -> memref<1x50xi32, #tpu.memory_space<vmem>>
      %dma_wait3A_631 = tpu.memref_squeeze %dma_wait3A_630 : memref<1x50xi32, #tpu.memory_space<vmem>> -> memref<50xi32, #tpu.memory_space<vmem>>
      %dma_wait3A_632 = arith.constant 0 : i32
      %dma_wait3A_633 = arith.constant 0 : i32
      %dma_wait3A_634 = tpu.memref_slice %arg3[%dma_wait3A_632, %dma_wait3A_633] : memref<104353x128xf32, #tpu.memory_space<hbm>> -> memref<104353x128xf32, #tpu.memory_space<hbm>>
      %dma_wait3A_635 = tpu.memref_slice %arg14[%dma_wait3A_624] : memref<8x!tpu.dma_semaphore, #tpu.memory_space<semaphore_mem>> -> memref<1x!tpu.dma_semaphore, #tpu.memory_space<semaphore_mem>>
      %dma_wait3A_636 = tpu.memref_squeeze %dma_wait3A_635 : memref<1x!tpu.dma_semaphore, #tpu.memory_space<semaphore_mem>> -> memref<!tpu.dma_semaphore, #tpu.memory_space<semaphore_mem>>
      tpu.wait_indirect_dma semaphore(%dma_wait3A_636 : memref<!tpu.dma_semaphore, #tpu.memory_space<semaphore_mem>>) src(%dma_wait3A_634 : memref<104353x128xf32, #tpu.memory_space<hbm>>) dst(%dma_wait3A_628 : memref<50x128xf32, #tpu.memory_space<vmem>>)
      %add3A_637 = arith.addi %mul3A_2, %add3A_622 : i32
      %dma_start3A_638 = arith.constant 7 : i32
      %dma_start3A_639 = arith.constant 0 : i32
      %dma_start3A_640 = arith.constant 0 : i32
      %dma_start3A_641 = tpu.memref_slice %arg4[%add3A_637, %dma_start3A_639, %dma_start3A_640] : memref<4096x50x128xf32, #tpu.memory_space<hbm>> -> memref<1x50x128xf32, #tpu.memory_space<hbm>>
      %dma_start3A_642 = tpu.memref_slice %arg15[%dma_start3A_638] : memref<8x!tpu.dma_semaphore, #tpu.memory_space<semaphore_mem>> -> memref<1x!tpu.dma_semaphore, #tpu.memory_space<semaphore_mem>>
      %dma_start3A_643 = tpu.memref_squeeze %dma_start3A_642 : memref<1x!tpu.dma_semaphore, #tpu.memory_space<semaphore_mem>> -> memref<!tpu.dma_semaphore, #tpu.memory_space<semaphore_mem>>
      %dma_start3A_644 = arith.constant 0 : i32
      %dma_start3A_645 = arith.constant 0 : i32
      %dma_start3A_646 = tpu.memref_slice %arg4[%add3A_637, %dma_start3A_644, %dma_start3A_645] : memref<4096x50x128xf32, #tpu.memory_space<hbm>> -> memref<1x50x128xf32, #tpu.memory_space<hbm>>
      tpu.enqueue_dma source(%arg13 : memref<1x50x128xf32, #tpu.memory_space<vmem>>) target(%dma_start3A_646 : memref<1x50x128xf32, #tpu.memory_space<hbm>>) target_semaphore(%dma_start3A_643 : memref<!tpu.dma_semaphore, #tpu.memory_space<semaphore_mem>>)
      %mul3A_647 = arith.constant 8 : i32
      %mul3A_648 = arith.muli %scan3A_422, %mul3A_647 : i32
      %add3A_649 = arith.constant 0 : i32
      %add3A_650 = arith.addi %mul3A_648, %add3A_649 : i32
      %add3A_651 = arith.addi %mul3A_2, %add3A_650 : i32
      %dma_wait3A_652 = arith.constant 0 : i32
      %dma_wait3A_653 = arith.constant 0 : i32
      %dma_wait3A_654 = arith.constant 0 : i32
      %dma_wait3A_655 = tpu.memref_slice %arg4[%add3A_651, %dma_wait3A_653, %dma_wait3A_654] : memref<4096x50x128xf32, #tpu.memory_space<hbm>> -> memref<1x50x128xf32, #tpu.memory_space<hbm>>
      %dma_wait3A_656 = tpu.memref_slice %arg15[%dma_wait3A_652] : memref<8x!tpu.dma_semaphore, #tpu.memory_space<semaphore_mem>> -> memref<1x!tpu.dma_semaphore, #tpu.memory_space<semaphore_mem>>
      %dma_wait3A_657 = tpu.memref_squeeze %dma_wait3A_656 : memref<1x!tpu.dma_semaphore, #tpu.memory_space<semaphore_mem>> -> memref<!tpu.dma_semaphore, #tpu.memory_space<semaphore_mem>>
      %dma_wait3A_658 = arith.constant 0 : i32
      %dma_wait3A_659 = arith.constant 0 : i32
      %dma_wait3A_660 = tpu.memref_slice %arg4[%add3A_651, %dma_wait3A_658, %dma_wait3A_659] : memref<4096x50x128xf32, #tpu.memory_space<hbm>> -> memref<1x50x128xf32, #tpu.memory_space<hbm>>
      tpu.wait_dma2 semaphore(%dma_wait3A_657 : memref<!tpu.dma_semaphore, #tpu.memory_space<semaphore_mem>>) src(%arg6 : memref<1x50x128xf32, #tpu.memory_space<vmem>>) dst(%dma_wait3A_660 : memref<1x50x128xf32, #tpu.memory_space<hbm>>)
      %add3A_661 = arith.constant 8 : i32
      %add3A_662 = arith.addi %add3A_650, %add3A_661 : i32
      %dma_start3A_663 = arith.constant 0 : i32
      %dma_start3A_664 = arith.constant 0 : i32
      %dma_start3A_665 = arith.constant 0 : i32
      %dma_start3A_666 = arith.constant 0 : i32
      %dma_start3A_667 = tpu.memref_slice %arg6[%dma_start3A_663, %dma_start3A_665, %dma_start3A_666] : memref<1x50x128xf32, #tpu.memory_space<vmem>> -> memref<1x50x128xf32, #tpu.memory_space<vmem>>
      %dma_start3A_668 = tpu.memref_squeeze %dma_start3A_667 : memref<1x50x128xf32, #tpu.memory_space<vmem>> -> memref<50x128xf32, #tpu.memory_space<vmem>>
      %dma_start3A_669 = arith.constant 0 : i32
      %dma_start3A_670 = tpu.memref_slice %arg5[%add3A_662, %dma_start3A_669] : memref<128x50xi32, #tpu.memory_space<vmem>> -> memref<1x50xi32, #tpu.memory_space<vmem>>
      %dma_start3A_671 = tpu.memref_squeeze %dma_start3A_670 : memref<1x50xi32, #tpu.memory_space<vmem>> -> memref<50xi32, #tpu.memory_space<vmem>>
      %dma_start3A_672 = arith.constant 0 : i32
      %dma_start3A_673 = arith.constant 0 : i32
      %dma_start3A_674 = tpu.memref_slice %arg3[%dma_start3A_672, %dma_start3A_673] : memref<104353x128xf32, #tpu.memory_space<hbm>> -> memref<104353x128xf32, #tpu.memory_space<hbm>>
      %dma_start3A_675 = tpu.memref_slice %arg14[%dma_start3A_664] : memref<8x!tpu.dma_semaphore, #tpu.memory_space<semaphore_mem>> -> memref<1x!tpu.dma_semaphore, #tpu.memory_space<semaphore_mem>>
      %dma_start3A_676 = tpu.memref_squeeze %dma_start3A_675 : memref<1x!tpu.dma_semaphore, #tpu.memory_space<semaphore_mem>> -> memref<!tpu.dma_semaphore, #tpu.memory_space<semaphore_mem>>
      tpu.enqueue_indirect_dma source(%dma_start3A_674 : memref<104353x128xf32, #tpu.memory_space<hbm>>) target(%dma_start3A_668 : memref<50x128xf32, #tpu.memory_space<vmem>>) offsets(%dma_start3A_671 : memref<50xi32, #tpu.memory_space<vmem>>) semaphore(%dma_start3A_676 : memref<!tpu.dma_semaphore, #tpu.memory_space<semaphore_mem>>)
      %mul3A_677 = arith.constant 8 : i32
      %mul3A_678 = arith.muli %scan3A_422, %mul3A_677 : i32
      %add3A_679 = arith.constant 1 : i32
      %add3A_680 = arith.addi %mul3A_678, %add3A_679 : i32
      %add3A_681 = arith.addi %mul3A_2, %add3A_680 : i32
      %dma_wait3A_682 = arith.constant 1 : i32
      %dma_wait3A_683 = arith.constant 0 : i32
      %dma_wait3A_684 = arith.constant 0 : i32
      %dma_wait3A_685 = tpu.memref_slice %arg4[%add3A_681, %dma_wait3A_683, %dma_wait3A_684] : memref<4096x50x128xf32, #tpu.memory_space<hbm>> -> memref<1x50x128xf32, #tpu.memory_space<hbm>>
      %dma_wait3A_686 = tpu.memref_slice %arg15[%dma_wait3A_682] : memref<8x!tpu.dma_semaphore, #tpu.memory_space<semaphore_mem>> -> memref<1x!tpu.dma_semaphore, #tpu.memory_space<semaphore_mem>>
      %dma_wait3A_687 = tpu.memref_squeeze %dma_wait3A_686 : memref<1x!tpu.dma_semaphore, #tpu.memory_space<semaphore_mem>> -> memref<!tpu.dma_semaphore, #tpu.memory_space<semaphore_mem>>
      %dma_wait3A_688 = arith.constant 0 : i32
      %dma_wait3A_689 = arith.constant 0 : i32
      %dma_wait3A_690 = tpu.memref_slice %arg4[%add3A_681, %dma_wait3A_688, %dma_wait3A_689] : memref<4096x50x128xf32, #tpu.memory_space<hbm>> -> memref<1x50x128xf32, #tpu.memory_space<hbm>>
      tpu.wait_dma2 semaphore(%dma_wait3A_687 : memref<!tpu.dma_semaphore, #tpu.memory_space<semaphore_mem>>) src(%arg7 : memref<1x50x128xf32, #tpu.memory_space<vmem>>) dst(%dma_wait3A_690 : memref<1x50x128xf32, #tpu.memory_space<hbm>>)
      %add3A_691 = arith.constant 8 : i32
      %add3A_692 = arith.addi %add3A_680, %add3A_691 : i32
      %dma_start3A_693 = arith.constant 0 : i32
      %dma_start3A_694 = arith.constant 1 : i32
      %dma_start3A_695 = arith.constant 0 : i32
      %dma_start3A_696 = arith.constant 0 : i32
      %dma_start3A_697 = tpu.memref_slice %arg7[%dma_start3A_693, %dma_start3A_695, %dma_start3A_696] : memref<1x50x128xf32, #tpu.memory_space<vmem>> -> memref<1x50x128xf32, #tpu.memory_space<vmem>>
      %dma_start3A_698 = tpu.memref_squeeze %dma_start3A_697 : memref<1x50x128xf32, #tpu.memory_space<vmem>> -> memref<50x128xf32, #tpu.memory_space<vmem>>
      %dma_start3A_699 = arith.constant 0 : i32
      %dma_start3A_700 = tpu.memref_slice %arg5[%add3A_692, %dma_start3A_699] : memref<128x50xi32, #tpu.memory_space<vmem>> -> memref<1x50xi32, #tpu.memory_space<vmem>>
      %dma_start3A_701 = tpu.memref_squeeze %dma_start3A_700 : memref<1x50xi32, #tpu.memory_space<vmem>> -> memref<50xi32, #tpu.memory_space<vmem>>
      %dma_start3A_702 = arith.constant 0 : i32
      %dma_start3A_703 = arith.constant 0 : i32
      %dma_start3A_704 = tpu.memref_slice %arg3[%dma_start3A_702, %dma_start3A_703] : memref<104353x128xf32, #tpu.memory_space<hbm>> -> memref<104353x128xf32, #tpu.memory_space<hbm>>
      %dma_start3A_705 = tpu.memref_slice %arg14[%dma_start3A_694] : memref<8x!tpu.dma_semaphore, #tpu.memory_space<semaphore_mem>> -> memref<1x!tpu.dma_semaphore, #tpu.memory_space<semaphore_mem>>
      %dma_start3A_706 = tpu.memref_squeeze %dma_start3A_705 : memref<1x!tpu.dma_semaphore, #tpu.memory_space<semaphore_mem>> -> memref<!tpu.dma_semaphore, #tpu.memory_space<semaphore_mem>>
      tpu.enqueue_indirect_dma source(%dma_start3A_704 : memref<104353x128xf32, #tpu.memory_space<hbm>>) target(%dma_start3A_698 : memref<50x128xf32, #tpu.memory_space<vmem>>) offsets(%dma_start3A_701 : memref<50xi32, #tpu.memory_space<vmem>>) semaphore(%dma_start3A_706 : memref<!tpu.dma_semaphore, #tpu.memory_space<semaphore_mem>>)
      %mul3A_707 = arith.constant 8 : i32
      %mul3A_708 = arith.muli %scan3A_422, %mul3A_707 : i32
      %add3A_709 = arith.constant 2 : i32
      %add3A_710 = arith.addi %mul3A_708, %add3A_709 : i32
      %add3A_711 = arith.addi %mul3A_2, %add3A_710 : i32
      %dma_wait3A_712 = arith.constant 2 : i32
      %dma_wait3A_713 = arith.constant 0 : i32
      %dma_wait3A_714 = arith.constant 0 : i32
      %dma_wait3A_715 = tpu.memref_slice %arg4[%add3A_711, %dma_wait3A_713, %dma_wait3A_714] : memref<4096x50x128xf32, #tpu.memory_space<hbm>> -> memref<1x50x128xf32, #tpu.memory_space<hbm>>
      %dma_wait3A_716 = tpu.memref_slice %arg15[%dma_wait3A_712] : memref<8x!tpu.dma_semaphore, #tpu.memory_space<semaphore_mem>> -> memref<1x!tpu.dma_semaphore, #tpu.memory_space<semaphore_mem>>
      %dma_wait3A_717 = tpu.memref_squeeze %dma_wait3A_716 : memref<1x!tpu.dma_semaphore, #tpu.memory_space<semaphore_mem>> -> memref<!tpu.dma_semaphore, #tpu.memory_space<semaphore_mem>>
      %dma_wait3A_718 = arith.constant 0 : i32
      %dma_wait3A_719 = arith.constant 0 : i32
      %dma_wait3A_720 = tpu.memref_slice %arg4[%add3A_711, %dma_wait3A_718, %dma_wait3A_719] : memref<4096x50x128xf32, #tpu.memory_space<hbm>> -> memref<1x50x128xf32, #tpu.memory_space<hbm>>
      tpu.wait_dma2 semaphore(%dma_wait3A_717 : memref<!tpu.dma_semaphore, #tpu.memory_space<semaphore_mem>>) src(%arg8 : memref<1x50x128xf32, #tpu.memory_space<vmem>>) dst(%dma_wait3A_720 : memref<1x50x128xf32, #tpu.memory_space<hbm>>)
      %add3A_721 = arith.constant 8 : i32
      %add3A_722 = arith.addi %add3A_710, %add3A_721 : i32
      %dma_start3A_723 = arith.constant 0 : i32
      %dma_start3A_724 = arith.constant 2 : i32
      %dma_start3A_725 = arith.constant 0 : i32
      %dma_start3A_726 = arith.constant 0 : i32
      %dma_start3A_727 = tpu.memref_slice %arg8[%dma_start3A_723, %dma_start3A_725, %dma_start3A_726] : memref<1x50x128xf32, #tpu.memory_space<vmem>> -> memref<1x50x128xf32, #tpu.memory_space<vmem>>
      %dma_start3A_728 = tpu.memref_squeeze %dma_start3A_727 : memref<1x50x128xf32, #tpu.memory_space<vmem>> -> memref<50x128xf32, #tpu.memory_space<vmem>>
      %dma_start3A_729 = arith.constant 0 : i32
      %dma_start3A_730 = tpu.memref_slice %arg5[%add3A_722, %dma_start3A_729] : memref<128x50xi32, #tpu.memory_space<vmem>> -> memref<1x50xi32, #tpu.memory_space<vmem>>
      %dma_start3A_731 = tpu.memref_squeeze %dma_start3A_730 : memref<1x50xi32, #tpu.memory_space<vmem>> -> memref<50xi32, #tpu.memory_space<vmem>>
      %dma_start3A_732 = arith.constant 0 : i32
      %dma_start3A_733 = arith.constant 0 : i32
      %dma_start3A_734 = tpu.memref_slice %arg3[%dma_start3A_732, %dma_start3A_733] : memref<104353x128xf32, #tpu.memory_space<hbm>> -> memref<104353x128xf32, #tpu.memory_space<hbm>>
      %dma_start3A_735 = tpu.memref_slice %arg14[%dma_start3A_724] : memref<8x!tpu.dma_semaphore, #tpu.memory_space<semaphore_mem>> -> memref<1x!tpu.dma_semaphore, #tpu.memory_space<semaphore_mem>>
      %dma_start3A_736 = tpu.memref_squeeze %dma_start3A_735 : memref<1x!tpu.dma_semaphore, #tpu.memory_space<semaphore_mem>> -> memref<!tpu.dma_semaphore, #tpu.memory_space<semaphore_mem>>
      tpu.enqueue_indirect_dma source(%dma_start3A_734 : memref<104353x128xf32, #tpu.memory_space<hbm>>) target(%dma_start3A_728 : memref<50x128xf32, #tpu.memory_space<vmem>>) offsets(%dma_start3A_731 : memref<50xi32, #tpu.memory_space<vmem>>) semaphore(%dma_start3A_736 : memref<!tpu.dma_semaphore, #tpu.memory_space<semaphore_mem>>)
      %mul3A_737 = arith.constant 8 : i32
      %mul3A_738 = arith.muli %scan3A_422, %mul3A_737 : i32
      %add3A_739 = arith.constant 3 : i32
      %add3A_740 = arith.addi %mul3A_738, %add3A_739 : i32
      %add3A_741 = arith.addi %mul3A_2, %add3A_740 : i32
      %dma_wait3A_742 = arith.constant 3 : i32
      %dma_wait3A_743 = arith.constant 0 : i32
      %dma_wait3A_744 = arith.constant 0 : i32
      %dma_wait3A_745 = tpu.memref_slice %arg4[%add3A_741, %dma_wait3A_743, %dma_wait3A_744] : memref<4096x50x128xf32, #tpu.memory_space<hbm>> -> memref<1x50x128xf32, #tpu.memory_space<hbm>>
      %dma_wait3A_746 = tpu.memref_slice %arg15[%dma_wait3A_742] : memref<8x!tpu.dma_semaphore, #tpu.memory_space<semaphore_mem>> -> memref<1x!tpu.dma_semaphore, #tpu.memory_space<semaphore_mem>>
      %dma_wait3A_747 = tpu.memref_squeeze %dma_wait3A_746 : memref<1x!tpu.dma_semaphore, #tpu.memory_space<semaphore_mem>> -> memref<!tpu.dma_semaphore, #tpu.memory_space<semaphore_mem>>
      %dma_wait3A_748 = arith.constant 0 : i32
      %dma_wait3A_749 = arith.constant 0 : i32
      %dma_wait3A_750 = tpu.memref_slice %arg4[%add3A_741, %dma_wait3A_748, %dma_wait3A_749] : memref<4096x50x128xf32, #tpu.memory_space<hbm>> -> memref<1x50x128xf32, #tpu.memory_space<hbm>>
      tpu.wait_dma2 semaphore(%dma_wait3A_747 : memref<!tpu.dma_semaphore, #tpu.memory_space<semaphore_mem>>) src(%arg9 : memref<1x50x128xf32, #tpu.memory_space<vmem>>) dst(%dma_wait3A_750 : memref<1x50x128xf32, #tpu.memory_space<hbm>>)
      %add3A_751 = arith.constant 8 : i32
      %add3A_752 = arith.addi %add3A_740, %add3A_751 : i32
      %dma_start3A_753 = arith.constant 0 : i32
      %dma_start3A_754 = arith.constant 3 : i32
      %dma_start3A_755 = arith.constant 0 : i32
      %dma_start3A_756 = arith.constant 0 : i32
      %dma_start3A_757 = tpu.memref_slice %arg9[%dma_start3A_753, %dma_start3A_755, %dma_start3A_756] : memref<1x50x128xf32, #tpu.memory_space<vmem>> -> memref<1x50x128xf32, #tpu.memory_space<vmem>>
      %dma_start3A_758 = tpu.memref_squeeze %dma_start3A_757 : memref<1x50x128xf32, #tpu.memory_space<vmem>> -> memref<50x128xf32, #tpu.memory_space<vmem>>
      %dma_start3A_759 = arith.constant 0 : i32
      %dma_start3A_760 = tpu.memref_slice %arg5[%add3A_752, %dma_start3A_759] : memref<128x50xi32, #tpu.memory_space<vmem>> -> memref<1x50xi32, #tpu.memory_space<vmem>>
      %dma_start3A_761 = tpu.memref_squeeze %dma_start3A_760 : memref<1x50xi32, #tpu.memory_space<vmem>> -> memref<50xi32, #tpu.memory_space<vmem>>
      %dma_start3A_762 = arith.constant 0 : i32
      %dma_start3A_763 = arith.constant 0 : i32
      %dma_start3A_764 = tpu.memref_slice %arg3[%dma_start3A_762, %dma_start3A_763] : memref<104353x128xf32, #tpu.memory_space<hbm>> -> memref<104353x128xf32, #tpu.memory_space<hbm>>
      %dma_start3A_765 = tpu.memref_slice %arg14[%dma_start3A_754] : memref<8x!tpu.dma_semaphore, #tpu.memory_space<semaphore_mem>> -> memref<1x!tpu.dma_semaphore, #tpu.memory_space<semaphore_mem>>
      %dma_start3A_766 = tpu.memref_squeeze %dma_start3A_765 : memref<1x!tpu.dma_semaphore, #tpu.memory_space<semaphore_mem>> -> memref<!tpu.dma_semaphore, #tpu.memory_space<semaphore_mem>>
      tpu.enqueue_indirect_dma source(%dma_start3A_764 : memref<104353x128xf32, #tpu.memory_space<hbm>>) target(%dma_start3A_758 : memref<50x128xf32, #tpu.memory_space<vmem>>) offsets(%dma_start3A_761 : memref<50xi32, #tpu.memory_space<vmem>>) semaphore(%dma_start3A_766 : memref<!tpu.dma_semaphore, #tpu.memory_space<semaphore_mem>>)
      %mul3A_767 = arith.constant 8 : i32
      %mul3A_768 = arith.muli %scan3A_422, %mul3A_767 : i32
      %add3A_769 = arith.constant 4 : i32
      %add3A_770 = arith.addi %mul3A_768, %add3A_769 : i32
      %add3A_771 = arith.addi %mul3A_2, %add3A_770 : i32
      %dma_wait3A_772 = arith.constant 4 : i32
      %dma_wait3A_773 = arith.constant 0 : i32
      %dma_wait3A_774 = arith.constant 0 : i32
      %dma_wait3A_775 = tpu.memref_slice %arg4[%add3A_771, %dma_wait3A_773, %dma_wait3A_774] : memref<4096x50x128xf32, #tpu.memory_space<hbm>> -> memref<1x50x128xf32, #tpu.memory_space<hbm>>
      %dma_wait3A_776 = tpu.memref_slice %arg15[%dma_wait3A_772] : memref<8x!tpu.dma_semaphore, #tpu.memory_space<semaphore_mem>> -> memref<1x!tpu.dma_semaphore, #tpu.memory_space<semaphore_mem>>
      %dma_wait3A_777 = tpu.memref_squeeze %dma_wait3A_776 : memref<1x!tpu.dma_semaphore, #tpu.memory_space<semaphore_mem>> -> memref<!tpu.dma_semaphore, #tpu.memory_space<semaphore_mem>>
      %dma_wait3A_778 = arith.constant 0 : i32
      %dma_wait3A_779 = arith.constant 0 : i32
      %dma_wait3A_780 = tpu.memref_slice %arg4[%add3A_771, %dma_wait3A_778, %dma_wait3A_779] : memref<4096x50x128xf32, #tpu.memory_space<hbm>> -> memref<1x50x128xf32, #tpu.memory_space<hbm>>
      tpu.wait_dma2 semaphore(%dma_wait3A_777 : memref<!tpu.dma_semaphore, #tpu.memory_space<semaphore_mem>>) src(%arg10 : memref<1x50x128xf32, #tpu.memory_space<vmem>>) dst(%dma_wait3A_780 : memref<1x50x128xf32, #tpu.memory_space<hbm>>)
      %add3A_781 = arith.constant 8 : i32
      %add3A_782 = arith.addi %add3A_770, %add3A_781 : i32
      %dma_start3A_783 = arith.constant 0 : i32
      %dma_start3A_784 = arith.constant 4 : i32
      %dma_start3A_785 = arith.constant 0 : i32
      %dma_start3A_786 = arith.constant 0 : i32
      %dma_start3A_787 = tpu.memref_slice %arg10[%dma_start3A_783, %dma_start3A_785, %dma_start3A_786] : memref<1x50x128xf32, #tpu.memory_space<vmem>> -> memref<1x50x128xf32, #tpu.memory_space<vmem>>
      %dma_start3A_788 = tpu.memref_squeeze %dma_start3A_787 : memref<1x50x128xf32, #tpu.memory_space<vmem>> -> memref<50x128xf32, #tpu.memory_space<vmem>>
      %dma_start3A_789 = arith.constant 0 : i32
      %dma_start3A_790 = tpu.memref_slice %arg5[%add3A_782, %dma_start3A_789] : memref<128x50xi32, #tpu.memory_space<vmem>> -> memref<1x50xi32, #tpu.memory_space<vmem>>
      %dma_start3A_791 = tpu.memref_squeeze %dma_start3A_790 : memref<1x50xi32, #tpu.memory_space<vmem>> -> memref<50xi32, #tpu.memory_space<vmem>>
      %dma_start3A_792 = arith.constant 0 : i32
      %dma_start3A_793 = arith.constant 0 : i32
      %dma_start3A_794 = tpu.memref_slice %arg3[%dma_start3A_792, %dma_start3A_793] : memref<104353x128xf32, #tpu.memory_space<hbm>> -> memref<104353x128xf32, #tpu.memory_space<hbm>>
      %dma_start3A_795 = tpu.memref_slice %arg14[%dma_start3A_784] : memref<8x!tpu.dma_semaphore, #tpu.memory_space<semaphore_mem>> -> memref<1x!tpu.dma_semaphore, #tpu.memory_space<semaphore_mem>>
      %dma_start3A_796 = tpu.memref_squeeze %dma_start3A_795 : memref<1x!tpu.dma_semaphore, #tpu.memory_space<semaphore_mem>> -> memref<!tpu.dma_semaphore, #tpu.memory_space<semaphore_mem>>
      tpu.enqueue_indirect_dma source(%dma_start3A_794 : memref<104353x128xf32, #tpu.memory_space<hbm>>) target(%dma_start3A_788 : memref<50x128xf32, #tpu.memory_space<vmem>>) offsets(%dma_start3A_791 : memref<50xi32, #tpu.memory_space<vmem>>) semaphore(%dma_start3A_796 : memref<!tpu.dma_semaphore, #tpu.memory_space<semaphore_mem>>)
      %mul3A_797 = arith.constant 8 : i32
      %mul3A_798 = arith.muli %scan3A_422, %mul3A_797 : i32
      %add3A_799 = arith.constant 5 : i32
      %add3A_800 = arith.addi %mul3A_798, %add3A_799 : i32
      %add3A_801 = arith.addi %mul3A_2, %add3A_800 : i32
      %dma_wait3A_802 = arith.constant 5 : i32
      %dma_wait3A_803 = arith.constant 0 : i32
      %dma_wait3A_804 = arith.constant 0 : i32
      %dma_wait3A_805 = tpu.memref_slice %arg4[%add3A_801, %dma_wait3A_803, %dma_wait3A_804] : memref<4096x50x128xf32, #tpu.memory_space<hbm>> -> memref<1x50x128xf32, #tpu.memory_space<hbm>>
      %dma_wait3A_806 = tpu.memref_slice %arg15[%dma_wait3A_802] : memref<8x!tpu.dma_semaphore, #tpu.memory_space<semaphore_mem>> -> memref<1x!tpu.dma_semaphore, #tpu.memory_space<semaphore_mem>>
      %dma_wait3A_807 = tpu.memref_squeeze %dma_wait3A_806 : memref<1x!tpu.dma_semaphore, #tpu.memory_space<semaphore_mem>> -> memref<!tpu.dma_semaphore, #tpu.memory_space<semaphore_mem>>
      %dma_wait3A_808 = arith.constant 0 : i32
      %dma_wait3A_809 = arith.constant 0 : i32
      %dma_wait3A_810 = tpu.memref_slice %arg4[%add3A_801, %dma_wait3A_808, %dma_wait3A_809] : memref<4096x50x128xf32, #tpu.memory_space<hbm>> -> memref<1x50x128xf32, #tpu.memory_space<hbm>>
      tpu.wait_dma2 semaphore(%dma_wait3A_807 : memref<!tpu.dma_semaphore, #tpu.memory_space<semaphore_mem>>) src(%arg11 : memref<1x50x128xf32, #tpu.memory_space<vmem>>) dst(%dma_wait3A_810 : memref<1x50x128xf32, #tpu.memory_space<hbm>>)
      %add3A_811 = arith.constant 8 : i32
      %add3A_812 = arith.addi %add3A_800, %add3A_811 : i32
      %dma_start3A_813 = arith.constant 0 : i32
      %dma_start3A_814 = arith.constant 5 : i32
      %dma_start3A_815 = arith.constant 0 : i32
      %dma_start3A_816 = arith.constant 0 : i32
      %dma_start3A_817 = tpu.memref_slice %arg11[%dma_start3A_813, %dma_start3A_815, %dma_start3A_816] : memref<1x50x128xf32, #tpu.memory_space<vmem>> -> memref<1x50x128xf32, #tpu.memory_space<vmem>>
      %dma_start3A_818 = tpu.memref_squeeze %dma_start3A_817 : memref<1x50x128xf32, #tpu.memory_space<vmem>> -> memref<50x128xf32, #tpu.memory_space<vmem>>
      %dma_start3A_819 = arith.constant 0 : i32
      %dma_start3A_820 = tpu.memref_slice %arg5[%add3A_812, %dma_start3A_819] : memref<128x50xi32, #tpu.memory_space<vmem>> -> memref<1x50xi32, #tpu.memory_space<vmem>>
      %dma_start3A_821 = tpu.memref_squeeze %dma_start3A_820 : memref<1x50xi32, #tpu.memory_space<vmem>> -> memref<50xi32, #tpu.memory_space<vmem>>
      %dma_start3A_822 = arith.constant 0 : i32
      %dma_start3A_823 = arith.constant 0 : i32
      %dma_start3A_824 = tpu.memref_slice %arg3[%dma_start3A_822, %dma_start3A_823] : memref<104353x128xf32, #tpu.memory_space<hbm>> -> memref<104353x128xf32, #tpu.memory_space<hbm>>
      %dma_start3A_825 = tpu.memref_slice %arg14[%dma_start3A_814] : memref<8x!tpu.dma_semaphore, #tpu.memory_space<semaphore_mem>> -> memref<1x!tpu.dma_semaphore, #tpu.memory_space<semaphore_mem>>
      %dma_start3A_826 = tpu.memref_squeeze %dma_start3A_825 : memref<1x!tpu.dma_semaphore, #tpu.memory_space<semaphore_mem>> -> memref<!tpu.dma_semaphore, #tpu.memory_space<semaphore_mem>>
      tpu.enqueue_indirect_dma source(%dma_start3A_824 : memref<104353x128xf32, #tpu.memory_space<hbm>>) target(%dma_start3A_818 : memref<50x128xf32, #tpu.memory_space<vmem>>) offsets(%dma_start3A_821 : memref<50xi32, #tpu.memory_space<vmem>>) semaphore(%dma_start3A_826 : memref<!tpu.dma_semaphore, #tpu.memory_space<semaphore_mem>>)
      %mul3A_827 = arith.constant 8 : i32
      %mul3A_828 = arith.muli %scan3A_422, %mul3A_827 : i32
      %add3A_829 = arith.constant 6 : i32
      %add3A_830 = arith.addi %mul3A_828, %add3A_829 : i32
      %add3A_831 = arith.addi %mul3A_2, %add3A_830 : i32
      %dma_wait3A_832 = arith.constant 6 : i32
      %dma_wait3A_833 = arith.constant 0 : i32
      %dma_wait3A_834 = arith.constant 0 : i32
      %dma_wait3A_835 = tpu.memref_slice %arg4[%add3A_831, %dma_wait3A_833, %dma_wait3A_834] : memref<4096x50x128xf32, #tpu.memory_space<hbm>> -> memref<1x50x128xf32, #tpu.memory_space<hbm>>
      %dma_wait3A_836 = tpu.memref_slice %arg15[%dma_wait3A_832] : memref<8x!tpu.dma_semaphore, #tpu.memory_space<semaphore_mem>> -> memref<1x!tpu.dma_semaphore, #tpu.memory_space<semaphore_mem>>
      %dma_wait3A_837 = tpu.memref_squeeze %dma_wait3A_836 : memref<1x!tpu.dma_semaphore, #tpu.memory_space<semaphore_mem>> -> memref<!tpu.dma_semaphore, #tpu.memory_space<semaphore_mem>>
      %dma_wait3A_838 = arith.constant 0 : i32
      %dma_wait3A_839 = arith.constant 0 : i32
      %dma_wait3A_840 = tpu.memref_slice %arg4[%add3A_831, %dma_wait3A_838, %dma_wait3A_839] : memref<4096x50x128xf32, #tpu.memory_space<hbm>> -> memref<1x50x128xf32, #tpu.memory_space<hbm>>
      tpu.wait_dma2 semaphore(%dma_wait3A_837 : memref<!tpu.dma_semaphore, #tpu.memory_space<semaphore_mem>>) src(%arg12 : memref<1x50x128xf32, #tpu.memory_space<vmem>>) dst(%dma_wait3A_840 : memref<1x50x128xf32, #tpu.memory_space<hbm>>)
      %add3A_841 = arith.constant 8 : i32
      %add3A_842 = arith.addi %add3A_830, %add3A_841 : i32
      %dma_start3A_843 = arith.constant 0 : i32
      %dma_start3A_844 = arith.constant 6 : i32
      %dma_start3A_845 = arith.constant 0 : i32
      %dma_start3A_846 = arith.constant 0 : i32
      %dma_start3A_847 = tpu.memref_slice %arg12[%dma_start3A_843, %dma_start3A_845, %dma_start3A_846] : memref<1x50x128xf32, #tpu.memory_space<vmem>> -> memref<1x50x128xf32, #tpu.memory_space<vmem>>
      %dma_start3A_848 = tpu.memref_squeeze %dma_start3A_847 : memref<1x50x128xf32, #tpu.memory_space<vmem>> -> memref<50x128xf32, #tpu.memory_space<vmem>>
      %dma_start3A_849 = arith.constant 0 : i32
      %dma_start3A_850 = tpu.memref_slice %arg5[%add3A_842, %dma_start3A_849] : memref<128x50xi32, #tpu.memory_space<vmem>> -> memref<1x50xi32, #tpu.memory_space<vmem>>
      %dma_start3A_851 = tpu.memref_squeeze %dma_start3A_850 : memref<1x50xi32, #tpu.memory_space<vmem>> -> memref<50xi32, #tpu.memory_space<vmem>>
      %dma_start3A_852 = arith.constant 0 : i32
      %dma_start3A_853 = arith.constant 0 : i32
      %dma_start3A_854 = tpu.memref_slice %arg3[%dma_start3A_852, %dma_start3A_853] : memref<104353x128xf32, #tpu.memory_space<hbm>> -> memref<104353x128xf32, #tpu.memory_space<hbm>>
      %dma_start3A_855 = tpu.memref_slice %arg14[%dma_start3A_844] : memref<8x!tpu.dma_semaphore, #tpu.memory_space<semaphore_mem>> -> memref<1x!tpu.dma_semaphore, #tpu.memory_space<semaphore_mem>>
      %dma_start3A_856 = tpu.memref_squeeze %dma_start3A_855 : memref<1x!tpu.dma_semaphore, #tpu.memory_space<semaphore_mem>> -> memref<!tpu.dma_semaphore, #tpu.memory_space<semaphore_mem>>
      tpu.enqueue_indirect_dma source(%dma_start3A_854 : memref<104353x128xf32, #tpu.memory_space<hbm>>) target(%dma_start3A_848 : memref<50x128xf32, #tpu.memory_space<vmem>>) offsets(%dma_start3A_851 : memref<50xi32, #tpu.memory_space<vmem>>) semaphore(%dma_start3A_856 : memref<!tpu.dma_semaphore, #tpu.memory_space<semaphore_mem>>)
      %mul3A_857 = arith.constant 8 : i32
      %mul3A_858 = arith.muli %scan3A_422, %mul3A_857 : i32
      %add3A_859 = arith.constant 7 : i32
      %add3A_860 = arith.addi %mul3A_858, %add3A_859 : i32
      %add3A_861 = arith.addi %mul3A_2, %add3A_860 : i32
      %dma_wait3A_862 = arith.constant 7 : i32
      %dma_wait3A_863 = arith.constant 0 : i32
      %dma_wait3A_864 = arith.constant 0 : i32
      %dma_wait3A_865 = tpu.memref_slice %arg4[%add3A_861, %dma_wait3A_863, %dma_wait3A_864] : memref<4096x50x128xf32, #tpu.memory_space<hbm>> -> memref<1x50x128xf32, #tpu.memory_space<hbm>>
      %dma_wait3A_866 = tpu.memref_slice %arg15[%dma_wait3A_862] : memref<8x!tpu.dma_semaphore, #tpu.memory_space<semaphore_mem>> -> memref<1x!tpu.dma_semaphore, #tpu.memory_space<semaphore_mem>>
      %dma_wait3A_867 = tpu.memref_squeeze %dma_wait3A_866 : memref<1x!tpu.dma_semaphore, #tpu.memory_space<semaphore_mem>> -> memref<!tpu.dma_semaphore, #tpu.memory_space<semaphore_mem>>
      %dma_wait3A_868 = arith.constant 0 : i32
      %dma_wait3A_869 = arith.constant 0 : i32
      %dma_wait3A_870 = tpu.memref_slice %arg4[%add3A_861, %dma_wait3A_868, %dma_wait3A_869] : memref<4096x50x128xf32, #tpu.memory_space<hbm>> -> memref<1x50x128xf32, #tpu.memory_space<hbm>>
      tpu.wait_dma2 semaphore(%dma_wait3A_867 : memref<!tpu.dma_semaphore, #tpu.memory_space<semaphore_mem>>) src(%arg13 : memref<1x50x128xf32, #tpu.memory_space<vmem>>) dst(%dma_wait3A_870 : memref<1x50x128xf32, #tpu.memory_space<hbm>>)
      %add3A_871 = arith.constant 8 : i32
      %add3A_872 = arith.addi %add3A_860, %add3A_871 : i32
      %dma_start3A_873 = arith.constant 0 : i32
      %dma_start3A_874 = arith.constant 7 : i32
      %dma_start3A_875 = arith.constant 0 : i32
      %dma_start3A_876 = arith.constant 0 : i32
      %dma_start3A_877 = tpu.memref_slice %arg13[%dma_start3A_873, %dma_start3A_875, %dma_start3A_876] : memref<1x50x128xf32, #tpu.memory_space<vmem>> -> memref<1x50x128xf32, #tpu.memory_space<vmem>>
      %dma_start3A_878 = tpu.memref_squeeze %dma_start3A_877 : memref<1x50x128xf32, #tpu.memory_space<vmem>> -> memref<50x128xf32, #tpu.memory_space<vmem>>
      %dma_start3A_879 = arith.constant 0 : i32
      %dma_start3A_880 = tpu.memref_slice %arg5[%add3A_872, %dma_start3A_879] : memref<128x50xi32, #tpu.memory_space<vmem>> -> memref<1x50xi32, #tpu.memory_space<vmem>>
      %dma_start3A_881 = tpu.memref_squeeze %dma_start3A_880 : memref<1x50xi32, #tpu.memory_space<vmem>> -> memref<50xi32, #tpu.memory_space<vmem>>
      %dma_start3A_882 = arith.constant 0 : i32
      %dma_start3A_883 = arith.constant 0 : i32
      %dma_start3A_884 = tpu.memref_slice %arg3[%dma_start3A_882, %dma_start3A_883] : memref<104353x128xf32, #tpu.memory_space<hbm>> -> memref<104353x128xf32, #tpu.memory_space<hbm>>
      %dma_start3A_885 = tpu.memref_slice %arg14[%dma_start3A_874] : memref<8x!tpu.dma_semaphore, #tpu.memory_space<semaphore_mem>> -> memref<1x!tpu.dma_semaphore, #tpu.memory_space<semaphore_mem>>
      %dma_start3A_886 = tpu.memref_squeeze %dma_start3A_885 : memref<1x!tpu.dma_semaphore, #tpu.memory_space<semaphore_mem>> -> memref<!tpu.dma_semaphore, #tpu.memory_space<semaphore_mem>>
      tpu.enqueue_indirect_dma source(%dma_start3A_884 : memref<104353x128xf32, #tpu.memory_space<hbm>>) target(%dma_start3A_878 : memref<50x128xf32, #tpu.memory_space<vmem>>) offsets(%dma_start3A_881 : memref<50xi32, #tpu.memory_space<vmem>>) semaphore(%dma_start3A_886 : memref<!tpu.dma_semaphore, #tpu.memory_space<semaphore_mem>>)
    }
    %scan3A_126 = arith.constant 15 : i32
    %dma_wait3A = arith.constant 120 : i32
    %dma_wait3A_127 = arith.constant 0 : i32
    %dma_wait3A_128 = arith.constant 0 : i32
    %dma_wait3A_129 = arith.constant 0 : i32
    %dma_wait3A_130 = arith.constant 0 : i32
    %dma_wait3A_131 = tpu.memref_slice %arg6[%dma_wait3A_127, %dma_wait3A_129, %dma_wait3A_130] : memref<1x50x128xf32, #tpu.memory_space<vmem>> -> memref<1x50x128xf32, #tpu.memory_space<vmem>>
    %dma_wait3A_132 = tpu.memref_squeeze %dma_wait3A_131 : memref<1x50x128xf32, #tpu.memory_space<vmem>> -> memref<50x128xf32, #tpu.memory_space<vmem>>
    %dma_wait3A_133 = arith.constant 0 : i32
    %dma_wait3A_134 = tpu.memref_slice %arg5[%dma_wait3A, %dma_wait3A_133] : memref<128x50xi32, #tpu.memory_space<vmem>> -> memref<1x50xi32, #tpu.memory_space<vmem>>
    %dma_wait3A_135 = tpu.memref_squeeze %dma_wait3A_134 : memref<1x50xi32, #tpu.memory_space<vmem>> -> memref<50xi32, #tpu.memory_space<vmem>>
    %dma_wait3A_136 = arith.constant 0 : i32
    %dma_wait3A_137 = arith.constant 0 : i32
    %dma_wait3A_138 = tpu.memref_slice %arg3[%dma_wait3A_136, %dma_wait3A_137] : memref<104353x128xf32, #tpu.memory_space<hbm>> -> memref<104353x128xf32, #tpu.memory_space<hbm>>
    %dma_wait3A_139 = tpu.memref_slice %arg14[%dma_wait3A_128] : memref<8x!tpu.dma_semaphore, #tpu.memory_space<semaphore_mem>> -> memref<1x!tpu.dma_semaphore, #tpu.memory_space<semaphore_mem>>
    %dma_wait3A_140 = tpu.memref_squeeze %dma_wait3A_139 : memref<1x!tpu.dma_semaphore, #tpu.memory_space<semaphore_mem>> -> memref<!tpu.dma_semaphore, #tpu.memory_space<semaphore_mem>>
    tpu.wait_indirect_dma semaphore(%dma_wait3A_140 : memref<!tpu.dma_semaphore, #tpu.memory_space<semaphore_mem>>) src(%dma_wait3A_138 : memref<104353x128xf32, #tpu.memory_space<hbm>>) dst(%dma_wait3A_132 : memref<50x128xf32, #tpu.memory_space<vmem>>)
    %add3A_141 = arith.constant 120 : i32
    %add3A_142 = arith.addi %mul3A_2, %add3A_141 : i32
    %dma_start3A_143 = arith.constant 0 : i32
    %dma_start3A_144 = arith.constant 0 : i32
    %dma_start3A_145 = arith.constant 0 : i32
    %dma_start3A_146 = tpu.memref_slice %arg4[%add3A_142, %dma_start3A_144, %dma_start3A_145] : memref<4096x50x128xf32, #tpu.memory_space<hbm>> -> memref<1x50x128xf32, #tpu.memory_space<hbm>>
    %dma_start3A_147 = tpu.memref_slice %arg15[%dma_start3A_143] : memref<8x!tpu.dma_semaphore, #tpu.memory_space<semaphore_mem>> -> memref<1x!tpu.dma_semaphore, #tpu.memory_space<semaphore_mem>>
    %dma_start3A_148 = tpu.memref_squeeze %dma_start3A_147 : memref<1x!tpu.dma_semaphore, #tpu.memory_space<semaphore_mem>> -> memref<!tpu.dma_semaphore, #tpu.memory_space<semaphore_mem>>
    %dma_start3A_149 = arith.constant 0 : i32
    %dma_start3A_150 = arith.constant 0 : i32
    %dma_start3A_151 = tpu.memref_slice %arg4[%add3A_142, %dma_start3A_149, %dma_start3A_150] : memref<4096x50x128xf32, #tpu.memory_space<hbm>> -> memref<1x50x128xf32, #tpu.memory_space<hbm>>
    tpu.enqueue_dma source(%arg6 : memref<1x50x128xf32, #tpu.memory_space<vmem>>) target(%dma_start3A_151 : memref<1x50x128xf32, #tpu.memory_space<hbm>>) target_semaphore(%dma_start3A_148 : memref<!tpu.dma_semaphore, #tpu.memory_space<semaphore_mem>>)
    %dma_wait3A_152 = arith.constant 121 : i32
    %dma_wait3A_153 = arith.constant 0 : i32
    %dma_wait3A_154 = arith.constant 1 : i32
    %dma_wait3A_155 = arith.constant 0 : i32
    %dma_wait3A_156 = arith.constant 0 : i32
    %dma_wait3A_157 = tpu.memref_slice %arg7[%dma_wait3A_153, %dma_wait3A_155, %dma_wait3A_156] : memref<1x50x128xf32, #tpu.memory_space<vmem>> -> memref<1x50x128xf32, #tpu.memory_space<vmem>>
    %dma_wait3A_158 = tpu.memref_squeeze %dma_wait3A_157 : memref<1x50x128xf32, #tpu.memory_space<vmem>> -> memref<50x128xf32, #tpu.memory_space<vmem>>
    %dma_wait3A_159 = arith.constant 0 : i32
    %dma_wait3A_160 = tpu.memref_slice %arg5[%dma_wait3A_152, %dma_wait3A_159] : memref<128x50xi32, #tpu.memory_space<vmem>> -> memref<1x50xi32, #tpu.memory_space<vmem>>
    %dma_wait3A_161 = tpu.memref_squeeze %dma_wait3A_160 : memref<1x50xi32, #tpu.memory_space<vmem>> -> memref<50xi32, #tpu.memory_space<vmem>>
    %dma_wait3A_162 = arith.constant 0 : i32
    %dma_wait3A_163 = arith.constant 0 : i32
    %dma_wait3A_164 = tpu.memref_slice %arg3[%dma_wait3A_162, %dma_wait3A_163] : memref<104353x128xf32, #tpu.memory_space<hbm>> -> memref<104353x128xf32, #tpu.memory_space<hbm>>
    %dma_wait3A_165 = tpu.memref_slice %arg14[%dma_wait3A_154] : memref<8x!tpu.dma_semaphore, #tpu.memory_space<semaphore_mem>> -> memref<1x!tpu.dma_semaphore, #tpu.memory_space<semaphore_mem>>
    %dma_wait3A_166 = tpu.memref_squeeze %dma_wait3A_165 : memref<1x!tpu.dma_semaphore, #tpu.memory_space<semaphore_mem>> -> memref<!tpu.dma_semaphore, #tpu.memory_space<semaphore_mem>>
    tpu.wait_indirect_dma semaphore(%dma_wait3A_166 : memref<!tpu.dma_semaphore, #tpu.memory_space<semaphore_mem>>) src(%dma_wait3A_164 : memref<104353x128xf32, #tpu.memory_space<hbm>>) dst(%dma_wait3A_158 : memref<50x128xf32, #tpu.memory_space<vmem>>)
    %add3A_167 = arith.constant 121 : i32
    %add3A_168 = arith.addi %mul3A_2, %add3A_167 : i32
    %dma_start3A_169 = arith.constant 1 : i32
    %dma_start3A_170 = arith.constant 0 : i32
    %dma_start3A_171 = arith.constant 0 : i32
    %dma_start3A_172 = tpu.memref_slice %arg4[%add3A_168, %dma_start3A_170, %dma_start3A_171] : memref<4096x50x128xf32, #tpu.memory_space<hbm>> -> memref<1x50x128xf32, #tpu.memory_space<hbm>>
    %dma_start3A_173 = tpu.memref_slice %arg15[%dma_start3A_169] : memref<8x!tpu.dma_semaphore, #tpu.memory_space<semaphore_mem>> -> memref<1x!tpu.dma_semaphore, #tpu.memory_space<semaphore_mem>>
    %dma_start3A_174 = tpu.memref_squeeze %dma_start3A_173 : memref<1x!tpu.dma_semaphore, #tpu.memory_space<semaphore_mem>> -> memref<!tpu.dma_semaphore, #tpu.memory_space<semaphore_mem>>
    %dma_start3A_175 = arith.constant 0 : i32
    %dma_start3A_176 = arith.constant 0 : i32
    %dma_start3A_177 = tpu.memref_slice %arg4[%add3A_168, %dma_start3A_175, %dma_start3A_176] : memref<4096x50x128xf32, #tpu.memory_space<hbm>> -> memref<1x50x128xf32, #tpu.memory_space<hbm>>
    tpu.enqueue_dma source(%arg7 : memref<1x50x128xf32, #tpu.memory_space<vmem>>) target(%dma_start3A_177 : memref<1x50x128xf32, #tpu.memory_space<hbm>>) target_semaphore(%dma_start3A_174 : memref<!tpu.dma_semaphore, #tpu.memory_space<semaphore_mem>>)
    %dma_wait3A_178 = arith.constant 122 : i32
    %dma_wait3A_179 = arith.constant 0 : i32
    %dma_wait3A_180 = arith.constant 2 : i32
    %dma_wait3A_181 = arith.constant 0 : i32
    %dma_wait3A_182 = arith.constant 0 : i32
    %dma_wait3A_183 = tpu.memref_slice %arg8[%dma_wait3A_179, %dma_wait3A_181, %dma_wait3A_182] : memref<1x50x128xf32, #tpu.memory_space<vmem>> -> memref<1x50x128xf32, #tpu.memory_space<vmem>>
    %dma_wait3A_184 = tpu.memref_squeeze %dma_wait3A_183 : memref<1x50x128xf32, #tpu.memory_space<vmem>> -> memref<50x128xf32, #tpu.memory_space<vmem>>
    %dma_wait3A_185 = arith.constant 0 : i32
    %dma_wait3A_186 = tpu.memref_slice %arg5[%dma_wait3A_178, %dma_wait3A_185] : memref<128x50xi32, #tpu.memory_space<vmem>> -> memref<1x50xi32, #tpu.memory_space<vmem>>
    %dma_wait3A_187 = tpu.memref_squeeze %dma_wait3A_186 : memref<1x50xi32, #tpu.memory_space<vmem>> -> memref<50xi32, #tpu.memory_space<vmem>>
    %dma_wait3A_188 = arith.constant 0 : i32
    %dma_wait3A_189 = arith.constant 0 : i32
    %dma_wait3A_190 = tpu.memref_slice %arg3[%dma_wait3A_188, %dma_wait3A_189] : memref<104353x128xf32, #tpu.memory_space<hbm>> -> memref<104353x128xf32, #tpu.memory_space<hbm>>
    %dma_wait3A_191 = tpu.memref_slice %arg14[%dma_wait3A_180] : memref<8x!tpu.dma_semaphore, #tpu.memory_space<semaphore_mem>> -> memref<1x!tpu.dma_semaphore, #tpu.memory_space<semaphore_mem>>
    %dma_wait3A_192 = tpu.memref_squeeze %dma_wait3A_191 : memref<1x!tpu.dma_semaphore, #tpu.memory_space<semaphore_mem>> -> memref<!tpu.dma_semaphore, #tpu.memory_space<semaphore_mem>>
    tpu.wait_indirect_dma semaphore(%dma_wait3A_192 : memref<!tpu.dma_semaphore, #tpu.memory_space<semaphore_mem>>) src(%dma_wait3A_190 : memref<104353x128xf32, #tpu.memory_space<hbm>>) dst(%dma_wait3A_184 : memref<50x128xf32, #tpu.memory_space<vmem>>)
    %add3A_193 = arith.constant 122 : i32
    %add3A_194 = arith.addi %mul3A_2, %add3A_193 : i32
    %dma_start3A_195 = arith.constant 2 : i32
    %dma_start3A_196 = arith.constant 0 : i32
    %dma_start3A_197 = arith.constant 0 : i32
    %dma_start3A_198 = tpu.memref_slice %arg4[%add3A_194, %dma_start3A_196, %dma_start3A_197] : memref<4096x50x128xf32, #tpu.memory_space<hbm>> -> memref<1x50x128xf32, #tpu.memory_space<hbm>>
    %dma_start3A_199 = tpu.memref_slice %arg15[%dma_start3A_195] : memref<8x!tpu.dma_semaphore, #tpu.memory_space<semaphore_mem>> -> memref<1x!tpu.dma_semaphore, #tpu.memory_space<semaphore_mem>>
    %dma_start3A_200 = tpu.memref_squeeze %dma_start3A_199 : memref<1x!tpu.dma_semaphore, #tpu.memory_space<semaphore_mem>> -> memref<!tpu.dma_semaphore, #tpu.memory_space<semaphore_mem>>
    %dma_start3A_201 = arith.constant 0 : i32
    %dma_start3A_202 = arith.constant 0 : i32
    %dma_start3A_203 = tpu.memref_slice %arg4[%add3A_194, %dma_start3A_201, %dma_start3A_202] : memref<4096x50x128xf32, #tpu.memory_space<hbm>> -> memref<1x50x128xf32, #tpu.memory_space<hbm>>
    tpu.enqueue_dma source(%arg8 : memref<1x50x128xf32, #tpu.memory_space<vmem>>) target(%dma_start3A_203 : memref<1x50x128xf32, #tpu.memory_space<hbm>>) target_semaphore(%dma_start3A_200 : memref<!tpu.dma_semaphore, #tpu.memory_space<semaphore_mem>>)
    %dma_wait3A_204 = arith.constant 123 : i32
    %dma_wait3A_205 = arith.constant 0 : i32
    %dma_wait3A_206 = arith.constant 3 : i32
    %dma_wait3A_207 = arith.constant 0 : i32
    %dma_wait3A_208 = arith.constant 0 : i32
    %dma_wait3A_209 = tpu.memref_slice %arg9[%dma_wait3A_205, %dma_wait3A_207, %dma_wait3A_208] : memref<1x50x128xf32, #tpu.memory_space<vmem>> -> memref<1x50x128xf32, #tpu.memory_space<vmem>>
    %dma_wait3A_210 = tpu.memref_squeeze %dma_wait3A_209 : memref<1x50x128xf32, #tpu.memory_space<vmem>> -> memref<50x128xf32, #tpu.memory_space<vmem>>
    %dma_wait3A_211 = arith.constant 0 : i32
    %dma_wait3A_212 = tpu.memref_slice %arg5[%dma_wait3A_204, %dma_wait3A_211] : memref<128x50xi32, #tpu.memory_space<vmem>> -> memref<1x50xi32, #tpu.memory_space<vmem>>
    %dma_wait3A_213 = tpu.memref_squeeze %dma_wait3A_212 : memref<1x50xi32, #tpu.memory_space<vmem>> -> memref<50xi32, #tpu.memory_space<vmem>>
    %dma_wait3A_214 = arith.constant 0 : i32
    %dma_wait3A_215 = arith.constant 0 : i32
    %dma_wait3A_216 = tpu.memref_slice %arg3[%dma_wait3A_214, %dma_wait3A_215] : memref<104353x128xf32, #tpu.memory_space<hbm>> -> memref<104353x128xf32, #tpu.memory_space<hbm>>
    %dma_wait3A_217 = tpu.memref_slice %arg14[%dma_wait3A_206] : memref<8x!tpu.dma_semaphore, #tpu.memory_space<semaphore_mem>> -> memref<1x!tpu.dma_semaphore, #tpu.memory_space<semaphore_mem>>
    %dma_wait3A_218 = tpu.memref_squeeze %dma_wait3A_217 : memref<1x!tpu.dma_semaphore, #tpu.memory_space<semaphore_mem>> -> memref<!tpu.dma_semaphore, #tpu.memory_space<semaphore_mem>>
    tpu.wait_indirect_dma semaphore(%dma_wait3A_218 : memref<!tpu.dma_semaphore, #tpu.memory_space<semaphore_mem>>) src(%dma_wait3A_216 : memref<104353x128xf32, #tpu.memory_space<hbm>>) dst(%dma_wait3A_210 : memref<50x128xf32, #tpu.memory_space<vmem>>)
    %add3A_219 = arith.constant 123 : i32
    %add3A_220 = arith.addi %mul3A_2, %add3A_219 : i32
    %dma_start3A_221 = arith.constant 3 : i32
    %dma_start3A_222 = arith.constant 0 : i32
    %dma_start3A_223 = arith.constant 0 : i32
    %dma_start3A_224 = tpu.memref_slice %arg4[%add3A_220, %dma_start3A_222, %dma_start3A_223] : memref<4096x50x128xf32, #tpu.memory_space<hbm>> -> memref<1x50x128xf32, #tpu.memory_space<hbm>>
    %dma_start3A_225 = tpu.memref_slice %arg15[%dma_start3A_221] : memref<8x!tpu.dma_semaphore, #tpu.memory_space<semaphore_mem>> -> memref<1x!tpu.dma_semaphore, #tpu.memory_space<semaphore_mem>>
    %dma_start3A_226 = tpu.memref_squeeze %dma_start3A_225 : memref<1x!tpu.dma_semaphore, #tpu.memory_space<semaphore_mem>> -> memref<!tpu.dma_semaphore, #tpu.memory_space<semaphore_mem>>
    %dma_start3A_227 = arith.constant 0 : i32
    %dma_start3A_228 = arith.constant 0 : i32
    %dma_start3A_229 = tpu.memref_slice %arg4[%add3A_220, %dma_start3A_227, %dma_start3A_228] : memref<4096x50x128xf32, #tpu.memory_space<hbm>> -> memref<1x50x128xf32, #tpu.memory_space<hbm>>
    tpu.enqueue_dma source(%arg9 : memref<1x50x128xf32, #tpu.memory_space<vmem>>) target(%dma_start3A_229 : memref<1x50x128xf32, #tpu.memory_space<hbm>>) target_semaphore(%dma_start3A_226 : memref<!tpu.dma_semaphore, #tpu.memory_space<semaphore_mem>>)
    %dma_wait3A_230 = arith.constant 124 : i32
    %dma_wait3A_231 = arith.constant 0 : i32
    %dma_wait3A_232 = arith.constant 4 : i32
    %dma_wait3A_233 = arith.constant 0 : i32
    %dma_wait3A_234 = arith.constant 0 : i32
    %dma_wait3A_235 = tpu.memref_slice %arg10[%dma_wait3A_231, %dma_wait3A_233, %dma_wait3A_234] : memref<1x50x128xf32, #tpu.memory_space<vmem>> -> memref<1x50x128xf32, #tpu.memory_space<vmem>>
    %dma_wait3A_236 = tpu.memref_squeeze %dma_wait3A_235 : memref<1x50x128xf32, #tpu.memory_space<vmem>> -> memref<50x128xf32, #tpu.memory_space<vmem>>
    %dma_wait3A_237 = arith.constant 0 : i32
    %dma_wait3A_238 = tpu.memref_slice %arg5[%dma_wait3A_230, %dma_wait3A_237] : memref<128x50xi32, #tpu.memory_space<vmem>> -> memref<1x50xi32, #tpu.memory_space<vmem>>
    %dma_wait3A_239 = tpu.memref_squeeze %dma_wait3A_238 : memref<1x50xi32, #tpu.memory_space<vmem>> -> memref<50xi32, #tpu.memory_space<vmem>>
    %dma_wait3A_240 = arith.constant 0 : i32
    %dma_wait3A_241 = arith.constant 0 : i32
    %dma_wait3A_242 = tpu.memref_slice %arg3[%dma_wait3A_240, %dma_wait3A_241] : memref<104353x128xf32, #tpu.memory_space<hbm>> -> memref<104353x128xf32, #tpu.memory_space<hbm>>
    %dma_wait3A_243 = tpu.memref_slice %arg14[%dma_wait3A_232] : memref<8x!tpu.dma_semaphore, #tpu.memory_space<semaphore_mem>> -> memref<1x!tpu.dma_semaphore, #tpu.memory_space<semaphore_mem>>
    %dma_wait3A_244 = tpu.memref_squeeze %dma_wait3A_243 : memref<1x!tpu.dma_semaphore, #tpu.memory_space<semaphore_mem>> -> memref<!tpu.dma_semaphore, #tpu.memory_space<semaphore_mem>>
    tpu.wait_indirect_dma semaphore(%dma_wait3A_244 : memref<!tpu.dma_semaphore, #tpu.memory_space<semaphore_mem>>) src(%dma_wait3A_242 : memref<104353x128xf32, #tpu.memory_space<hbm>>) dst(%dma_wait3A_236 : memref<50x128xf32, #tpu.memory_space<vmem>>)
    %add3A_245 = arith.constant 124 : i32
    %add3A_246 = arith.addi %mul3A_2, %add3A_245 : i32
    %dma_start3A_247 = arith.constant 4 : i32
    %dma_start3A_248 = arith.constant 0 : i32
    %dma_start3A_249 = arith.constant 0 : i32
    %dma_start3A_250 = tpu.memref_slice %arg4[%add3A_246, %dma_start3A_248, %dma_start3A_249] : memref<4096x50x128xf32, #tpu.memory_space<hbm>> -> memref<1x50x128xf32, #tpu.memory_space<hbm>>
    %dma_start3A_251 = tpu.memref_slice %arg15[%dma_start3A_247] : memref<8x!tpu.dma_semaphore, #tpu.memory_space<semaphore_mem>> -> memref<1x!tpu.dma_semaphore, #tpu.memory_space<semaphore_mem>>
    %dma_start3A_252 = tpu.memref_squeeze %dma_start3A_251 : memref<1x!tpu.dma_semaphore, #tpu.memory_space<semaphore_mem>> -> memref<!tpu.dma_semaphore, #tpu.memory_space<semaphore_mem>>
    %dma_start3A_253 = arith.constant 0 : i32
    %dma_start3A_254 = arith.constant 0 : i32
    %dma_start3A_255 = tpu.memref_slice %arg4[%add3A_246, %dma_start3A_253, %dma_start3A_254] : memref<4096x50x128xf32, #tpu.memory_space<hbm>> -> memref<1x50x128xf32, #tpu.memory_space<hbm>>
    tpu.enqueue_dma source(%arg10 : memref<1x50x128xf32, #tpu.memory_space<vmem>>) target(%dma_start3A_255 : memref<1x50x128xf32, #tpu.memory_space<hbm>>) target_semaphore(%dma_start3A_252 : memref<!tpu.dma_semaphore, #tpu.memory_space<semaphore_mem>>)
    %dma_wait3A_256 = arith.constant 125 : i32
    %dma_wait3A_257 = arith.constant 0 : i32
    %dma_wait3A_258 = arith.constant 5 : i32
    %dma_wait3A_259 = arith.constant 0 : i32
    %dma_wait3A_260 = arith.constant 0 : i32
    %dma_wait3A_261 = tpu.memref_slice %arg11[%dma_wait3A_257, %dma_wait3A_259, %dma_wait3A_260] : memref<1x50x128xf32, #tpu.memory_space<vmem>> -> memref<1x50x128xf32, #tpu.memory_space<vmem>>
    %dma_wait3A_262 = tpu.memref_squeeze %dma_wait3A_261 : memref<1x50x128xf32, #tpu.memory_space<vmem>> -> memref<50x128xf32, #tpu.memory_space<vmem>>
    %dma_wait3A_263 = arith.constant 0 : i32
    %dma_wait3A_264 = tpu.memref_slice %arg5[%dma_wait3A_256, %dma_wait3A_263] : memref<128x50xi32, #tpu.memory_space<vmem>> -> memref<1x50xi32, #tpu.memory_space<vmem>>
    %dma_wait3A_265 = tpu.memref_squeeze %dma_wait3A_264 : memref<1x50xi32, #tpu.memory_space<vmem>> -> memref<50xi32, #tpu.memory_space<vmem>>
    %dma_wait3A_266 = arith.constant 0 : i32
    %dma_wait3A_267 = arith.constant 0 : i32
    %dma_wait3A_268 = tpu.memref_slice %arg3[%dma_wait3A_266, %dma_wait3A_267] : memref<104353x128xf32, #tpu.memory_space<hbm>> -> memref<104353x128xf32, #tpu.memory_space<hbm>>
    %dma_wait3A_269 = tpu.memref_slice %arg14[%dma_wait3A_258] : memref<8x!tpu.dma_semaphore, #tpu.memory_space<semaphore_mem>> -> memref<1x!tpu.dma_semaphore, #tpu.memory_space<semaphore_mem>>
    %dma_wait3A_270 = tpu.memref_squeeze %dma_wait3A_269 : memref<1x!tpu.dma_semaphore, #tpu.memory_space<semaphore_mem>> -> memref<!tpu.dma_semaphore, #tpu.memory_space<semaphore_mem>>
    tpu.wait_indirect_dma semaphore(%dma_wait3A_270 : memref<!tpu.dma_semaphore, #tpu.memory_space<semaphore_mem>>) src(%dma_wait3A_268 : memref<104353x128xf32, #tpu.memory_space<hbm>>) dst(%dma_wait3A_262 : memref<50x128xf32, #tpu.memory_space<vmem>>)
    %add3A_271 = arith.constant 125 : i32
    %add3A_272 = arith.addi %mul3A_2, %add3A_271 : i32
    %dma_start3A_273 = arith.constant 5 : i32
    %dma_start3A_274 = arith.constant 0 : i32
    %dma_start3A_275 = arith.constant 0 : i32
    %dma_start3A_276 = tpu.memref_slice %arg4[%add3A_272, %dma_start3A_274, %dma_start3A_275] : memref<4096x50x128xf32, #tpu.memory_space<hbm>> -> memref<1x50x128xf32, #tpu.memory_space<hbm>>
    %dma_start3A_277 = tpu.memref_slice %arg15[%dma_start3A_273] : memref<8x!tpu.dma_semaphore, #tpu.memory_space<semaphore_mem>> -> memref<1x!tpu.dma_semaphore, #tpu.memory_space<semaphore_mem>>
    %dma_start3A_278 = tpu.memref_squeeze %dma_start3A_277 : memref<1x!tpu.dma_semaphore, #tpu.memory_space<semaphore_mem>> -> memref<!tpu.dma_semaphore, #tpu.memory_space<semaphore_mem>>
    %dma_start3A_279 = arith.constant 0 : i32
    %dma_start3A_280 = arith.constant 0 : i32
    %dma_start3A_281 = tpu.memref_slice %arg4[%add3A_272, %dma_start3A_279, %dma_start3A_280] : memref<4096x50x128xf32, #tpu.memory_space<hbm>> -> memref<1x50x128xf32, #tpu.memory_space<hbm>>
    tpu.enqueue_dma source(%arg11 : memref<1x50x128xf32, #tpu.memory_space<vmem>>) target(%dma_start3A_281 : memref<1x50x128xf32, #tpu.memory_space<hbm>>) target_semaphore(%dma_start3A_278 : memref<!tpu.dma_semaphore, #tpu.memory_space<semaphore_mem>>)
    %dma_wait3A_282 = arith.constant 126 : i32
    %dma_wait3A_283 = arith.constant 0 : i32
    %dma_wait3A_284 = arith.constant 6 : i32
    %dma_wait3A_285 = arith.constant 0 : i32
    %dma_wait3A_286 = arith.constant 0 : i32
    %dma_wait3A_287 = tpu.memref_slice %arg12[%dma_wait3A_283, %dma_wait3A_285, %dma_wait3A_286] : memref<1x50x128xf32, #tpu.memory_space<vmem>> -> memref<1x50x128xf32, #tpu.memory_space<vmem>>
    %dma_wait3A_288 = tpu.memref_squeeze %dma_wait3A_287 : memref<1x50x128xf32, #tpu.memory_space<vmem>> -> memref<50x128xf32, #tpu.memory_space<vmem>>
    %dma_wait3A_289 = arith.constant 0 : i32
    %dma_wait3A_290 = tpu.memref_slice %arg5[%dma_wait3A_282, %dma_wait3A_289] : memref<128x50xi32, #tpu.memory_space<vmem>> -> memref<1x50xi32, #tpu.memory_space<vmem>>
    %dma_wait3A_291 = tpu.memref_squeeze %dma_wait3A_290 : memref<1x50xi32, #tpu.memory_space<vmem>> -> memref<50xi32, #tpu.memory_space<vmem>>
    %dma_wait3A_292 = arith.constant 0 : i32
    %dma_wait3A_293 = arith.constant 0 : i32
    %dma_wait3A_294 = tpu.memref_slice %arg3[%dma_wait3A_292, %dma_wait3A_293] : memref<104353x128xf32, #tpu.memory_space<hbm>> -> memref<104353x128xf32, #tpu.memory_space<hbm>>
    %dma_wait3A_295 = tpu.memref_slice %arg14[%dma_wait3A_284] : memref<8x!tpu.dma_semaphore, #tpu.memory_space<semaphore_mem>> -> memref<1x!tpu.dma_semaphore, #tpu.memory_space<semaphore_mem>>
    %dma_wait3A_296 = tpu.memref_squeeze %dma_wait3A_295 : memref<1x!tpu.dma_semaphore, #tpu.memory_space<semaphore_mem>> -> memref<!tpu.dma_semaphore, #tpu.memory_space<semaphore_mem>>
    tpu.wait_indirect_dma semaphore(%dma_wait3A_296 : memref<!tpu.dma_semaphore, #tpu.memory_space<semaphore_mem>>) src(%dma_wait3A_294 : memref<104353x128xf32, #tpu.memory_space<hbm>>) dst(%dma_wait3A_288 : memref<50x128xf32, #tpu.memory_space<vmem>>)
    %add3A_297 = arith.constant 126 : i32
    %add3A_298 = arith.addi %mul3A_2, %add3A_297 : i32
    %dma_start3A_299 = arith.constant 6 : i32
    %dma_start3A_300 = arith.constant 0 : i32
    %dma_start3A_301 = arith.constant 0 : i32
    %dma_start3A_302 = tpu.memref_slice %arg4[%add3A_298, %dma_start3A_300, %dma_start3A_301] : memref<4096x50x128xf32, #tpu.memory_space<hbm>> -> memref<1x50x128xf32, #tpu.memory_space<hbm>>
    %dma_start3A_303 = tpu.memref_slice %arg15[%dma_start3A_299] : memref<8x!tpu.dma_semaphore, #tpu.memory_space<semaphore_mem>> -> memref<1x!tpu.dma_semaphore, #tpu.memory_space<semaphore_mem>>
    %dma_start3A_304 = tpu.memref_squeeze %dma_start3A_303 : memref<1x!tpu.dma_semaphore, #tpu.memory_space<semaphore_mem>> -> memref<!tpu.dma_semaphore, #tpu.memory_space<semaphore_mem>>
    %dma_start3A_305 = arith.constant 0 : i32
    %dma_start3A_306 = arith.constant 0 : i32
    %dma_start3A_307 = tpu.memref_slice %arg4[%add3A_298, %dma_start3A_305, %dma_start3A_306] : memref<4096x50x128xf32, #tpu.memory_space<hbm>> -> memref<1x50x128xf32, #tpu.memory_space<hbm>>
    tpu.enqueue_dma source(%arg12 : memref<1x50x128xf32, #tpu.memory_space<vmem>>) target(%dma_start3A_307 : memref<1x50x128xf32, #tpu.memory_space<hbm>>) target_semaphore(%dma_start3A_304 : memref<!tpu.dma_semaphore, #tpu.memory_space<semaphore_mem>>)
    %dma_wait3A_308 = arith.constant 127 : i32
    %dma_wait3A_309 = arith.constant 0 : i32
    %dma_wait3A_310 = arith.constant 7 : i32
    %dma_wait3A_311 = arith.constant 0 : i32
    %dma_wait3A_312 = arith.constant 0 : i32
    %dma_wait3A_313 = tpu.memref_slice %arg13[%dma_wait3A_309, %dma_wait3A_311, %dma_wait3A_312] : memref<1x50x128xf32, #tpu.memory_space<vmem>> -> memref<1x50x128xf32, #tpu.memory_space<vmem>>
    %dma_wait3A_314 = tpu.memref_squeeze %dma_wait3A_313 : memref<1x50x128xf32, #tpu.memory_space<vmem>> -> memref<50x128xf32, #tpu.memory_space<vmem>>
    %dma_wait3A_315 = arith.constant 0 : i32
    %dma_wait3A_316 = tpu.memref_slice %arg5[%dma_wait3A_308, %dma_wait3A_315] : memref<128x50xi32, #tpu.memory_space<vmem>> -> memref<1x50xi32, #tpu.memory_space<vmem>>
    %dma_wait3A_317 = tpu.memref_squeeze %dma_wait3A_316 : memref<1x50xi32, #tpu.memory_space<vmem>> -> memref<50xi32, #tpu.memory_space<vmem>>
    %dma_wait3A_318 = arith.constant 0 : i32
    %dma_wait3A_319 = arith.constant 0 : i32
    %dma_wait3A_320 = tpu.memref_slice %arg3[%dma_wait3A_318, %dma_wait3A_319] : memref<104353x128xf32, #tpu.memory_space<hbm>> -> memref<104353x128xf32, #tpu.memory_space<hbm>>
    %dma_wait3A_321 = tpu.memref_slice %arg14[%dma_wait3A_310] : memref<8x!tpu.dma_semaphore, #tpu.memory_space<semaphore_mem>> -> memref<1x!tpu.dma_semaphore, #tpu.memory_space<semaphore_mem>>
    %dma_wait3A_322 = tpu.memref_squeeze %dma_wait3A_321 : memref<1x!tpu.dma_semaphore, #tpu.memory_space<semaphore_mem>> -> memref<!tpu.dma_semaphore, #tpu.memory_space<semaphore_mem>>
    tpu.wait_indirect_dma semaphore(%dma_wait3A_322 : memref<!tpu.dma_semaphore, #tpu.memory_space<semaphore_mem>>) src(%dma_wait3A_320 : memref<104353x128xf32, #tpu.memory_space<hbm>>) dst(%dma_wait3A_314 : memref<50x128xf32, #tpu.memory_space<vmem>>)
    %add3A_323 = arith.constant 127 : i32
    %add3A_324 = arith.addi %mul3A_2, %add3A_323 : i32
    %dma_start3A_325 = arith.constant 7 : i32
    %dma_start3A_326 = arith.constant 0 : i32
    %dma_start3A_327 = arith.constant 0 : i32
    %dma_start3A_328 = tpu.memref_slice %arg4[%add3A_324, %dma_start3A_326, %dma_start3A_327] : memref<4096x50x128xf32, #tpu.memory_space<hbm>> -> memref<1x50x128xf32, #tpu.memory_space<hbm>>
    %dma_start3A_329 = tpu.memref_slice %arg15[%dma_start3A_325] : memref<8x!tpu.dma_semaphore, #tpu.memory_space<semaphore_mem>> -> memref<1x!tpu.dma_semaphore, #tpu.memory_space<semaphore_mem>>
    %dma_start3A_330 = tpu.memref_squeeze %dma_start3A_329 : memref<1x!tpu.dma_semaphore, #tpu.memory_space<semaphore_mem>> -> memref<!tpu.dma_semaphore, #tpu.memory_space<semaphore_mem>>
    %dma_start3A_331 = arith.constant 0 : i32
    %dma_start3A_332 = arith.constant 0 : i32
    %dma_start3A_333 = tpu.memref_slice %arg4[%add3A_324, %dma_start3A_331, %dma_start3A_332] : memref<4096x50x128xf32, #tpu.memory_space<hbm>> -> memref<1x50x128xf32, #tpu.memory_space<hbm>>
    tpu.enqueue_dma source(%arg13 : memref<1x50x128xf32, #tpu.memory_space<vmem>>) target(%dma_start3A_333 : memref<1x50x128xf32, #tpu.memory_space<hbm>>) target_semaphore(%dma_start3A_330 : memref<!tpu.dma_semaphore, #tpu.memory_space<semaphore_mem>>)
    %add3A_334 = arith.constant 120 : i32
    %add3A_335 = arith.addi %mul3A_2, %add3A_334 : i32
    %dma_wait3A_336 = arith.constant 0 : i32
    %dma_wait3A_337 = arith.constant 0 : i32
    %dma_wait3A_338 = arith.constant 0 : i32
    %dma_wait3A_339 = tpu.memref_slice %arg4[%add3A_335, %dma_wait3A_337, %dma_wait3A_338] : memref<4096x50x128xf32, #tpu.memory_space<hbm>> -> memref<1x50x128xf32, #tpu.memory_space<hbm>>
    %dma_wait3A_340 = tpu.memref_slice %arg15[%dma_wait3A_336] : memref<8x!tpu.dma_semaphore, #tpu.memory_space<semaphore_mem>> -> memref<1x!tpu.dma_semaphore, #tpu.memory_space<semaphore_mem>>
    %dma_wait3A_341 = tpu.memref_squeeze %dma_wait3A_340 : memref<1x!tpu.dma_semaphore, #tpu.memory_space<semaphore_mem>> -> memref<!tpu.dma_semaphore, #tpu.memory_space<semaphore_mem>>
    %dma_wait3A_342 = arith.constant 0 : i32
    %dma_wait3A_343 = arith.constant 0 : i32
    %dma_wait3A_344 = tpu.memref_slice %arg4[%add3A_335, %dma_wait3A_342, %dma_wait3A_343] : memref<4096x50x128xf32, #tpu.memory_space<hbm>> -> memref<1x50x128xf32, #tpu.memory_space<hbm>>
    tpu.wait_dma2 semaphore(%dma_wait3A_341 : memref<!tpu.dma_semaphore, #tpu.memory_space<semaphore_mem>>) src(%arg6 : memref<1x50x128xf32, #tpu.memory_space<vmem>>) dst(%dma_wait3A_344 : memref<1x50x128xf32, #tpu.memory_space<hbm>>)
    %add3A_345 = arith.constant 121 : i32
    %add3A_346 = arith.addi %mul3A_2, %add3A_345 : i32
    %dma_wait3A_347 = arith.constant 1 : i32
    %dma_wait3A_348 = arith.constant 0 : i32
    %dma_wait3A_349 = arith.constant 0 : i32
    %dma_wait3A_350 = tpu.memref_slice %arg4[%add3A_346, %dma_wait3A_348, %dma_wait3A_349] : memref<4096x50x128xf32, #tpu.memory_space<hbm>> -> memref<1x50x128xf32, #tpu.memory_space<hbm>>
    %dma_wait3A_351 = tpu.memref_slice %arg15[%dma_wait3A_347] : memref<8x!tpu.dma_semaphore, #tpu.memory_space<semaphore_mem>> -> memref<1x!tpu.dma_semaphore, #tpu.memory_space<semaphore_mem>>
    %dma_wait3A_352 = tpu.memref_squeeze %dma_wait3A_351 : memref<1x!tpu.dma_semaphore, #tpu.memory_space<semaphore_mem>> -> memref<!tpu.dma_semaphore, #tpu.memory_space<semaphore_mem>>
    %dma_wait3A_353 = arith.constant 0 : i32
    %dma_wait3A_354 = arith.constant 0 : i32
    %dma_wait3A_355 = tpu.memref_slice %arg4[%add3A_346, %dma_wait3A_353, %dma_wait3A_354] : memref<4096x50x128xf32, #tpu.memory_space<hbm>> -> memref<1x50x128xf32, #tpu.memory_space<hbm>>
    tpu.wait_dma2 semaphore(%dma_wait3A_352 : memref<!tpu.dma_semaphore, #tpu.memory_space<semaphore_mem>>) src(%arg7 : memref<1x50x128xf32, #tpu.memory_space<vmem>>) dst(%dma_wait3A_355 : memref<1x50x128xf32, #tpu.memory_space<hbm>>)
    %add3A_356 = arith.constant 122 : i32
    %add3A_357 = arith.addi %mul3A_2, %add3A_356 : i32
    %dma_wait3A_358 = arith.constant 2 : i32
    %dma_wait3A_359 = arith.constant 0 : i32
    %dma_wait3A_360 = arith.constant 0 : i32
    %dma_wait3A_361 = tpu.memref_slice %arg4[%add3A_357, %dma_wait3A_359, %dma_wait3A_360] : memref<4096x50x128xf32, #tpu.memory_space<hbm>> -> memref<1x50x128xf32, #tpu.memory_space<hbm>>
    %dma_wait3A_362 = tpu.memref_slice %arg15[%dma_wait3A_358] : memref<8x!tpu.dma_semaphore, #tpu.memory_space<semaphore_mem>> -> memref<1x!tpu.dma_semaphore, #tpu.memory_space<semaphore_mem>>
    %dma_wait3A_363 = tpu.memref_squeeze %dma_wait3A_362 : memref<1x!tpu.dma_semaphore, #tpu.memory_space<semaphore_mem>> -> memref<!tpu.dma_semaphore, #tpu.memory_space<semaphore_mem>>
    %dma_wait3A_364 = arith.constant 0 : i32
    %dma_wait3A_365 = arith.constant 0 : i32
    %dma_wait3A_366 = tpu.memref_slice %arg4[%add3A_357, %dma_wait3A_364, %dma_wait3A_365] : memref<4096x50x128xf32, #tpu.memory_space<hbm>> -> memref<1x50x128xf32, #tpu.memory_space<hbm>>
    tpu.wait_dma2 semaphore(%dma_wait3A_363 : memref<!tpu.dma_semaphore, #tpu.memory_space<semaphore_mem>>) src(%arg8 : memref<1x50x128xf32, #tpu.memory_space<vmem>>) dst(%dma_wait3A_366 : memref<1x50x128xf32, #tpu.memory_space<hbm>>)
    %add3A_367 = arith.constant 123 : i32
    %add3A_368 = arith.addi %mul3A_2, %add3A_367 : i32
    %dma_wait3A_369 = arith.constant 3 : i32
    %dma_wait3A_370 = arith.constant 0 : i32
    %dma_wait3A_371 = arith.constant 0 : i32
    %dma_wait3A_372 = tpu.memref_slice %arg4[%add3A_368, %dma_wait3A_370, %dma_wait3A_371] : memref<4096x50x128xf32, #tpu.memory_space<hbm>> -> memref<1x50x128xf32, #tpu.memory_space<hbm>>
    %dma_wait3A_373 = tpu.memref_slice %arg15[%dma_wait3A_369] : memref<8x!tpu.dma_semaphore, #tpu.memory_space<semaphore_mem>> -> memref<1x!tpu.dma_semaphore, #tpu.memory_space<semaphore_mem>>
    %dma_wait3A_374 = tpu.memref_squeeze %dma_wait3A_373 : memref<1x!tpu.dma_semaphore, #tpu.memory_space<semaphore_mem>> -> memref<!tpu.dma_semaphore, #tpu.memory_space<semaphore_mem>>
    %dma_wait3A_375 = arith.constant 0 : i32
    %dma_wait3A_376 = arith.constant 0 : i32
    %dma_wait3A_377 = tpu.memref_slice %arg4[%add3A_368, %dma_wait3A_375, %dma_wait3A_376] : memref<4096x50x128xf32, #tpu.memory_space<hbm>> -> memref<1x50x128xf32, #tpu.memory_space<hbm>>
    tpu.wait_dma2 semaphore(%dma_wait3A_374 : memref<!tpu.dma_semaphore, #tpu.memory_space<semaphore_mem>>) src(%arg9 : memref<1x50x128xf32, #tpu.memory_space<vmem>>) dst(%dma_wait3A_377 : memref<1x50x128xf32, #tpu.memory_space<hbm>>)
    %add3A_378 = arith.constant 124 : i32
    %add3A_379 = arith.addi %mul3A_2, %add3A_378 : i32
    %dma_wait3A_380 = arith.constant 4 : i32
    %dma_wait3A_381 = arith.constant 0 : i32
    %dma_wait3A_382 = arith.constant 0 : i32
    %dma_wait3A_383 = tpu.memref_slice %arg4[%add3A_379, %dma_wait3A_381, %dma_wait3A_382] : memref<4096x50x128xf32, #tpu.memory_space<hbm>> -> memref<1x50x128xf32, #tpu.memory_space<hbm>>
    %dma_wait3A_384 = tpu.memref_slice %arg15[%dma_wait3A_380] : memref<8x!tpu.dma_semaphore, #tpu.memory_space<semaphore_mem>> -> memref<1x!tpu.dma_semaphore, #tpu.memory_space<semaphore_mem>>
    %dma_wait3A_385 = tpu.memref_squeeze %dma_wait3A_384 : memref<1x!tpu.dma_semaphore, #tpu.memory_space<semaphore_mem>> -> memref<!tpu.dma_semaphore, #tpu.memory_space<semaphore_mem>>
    %dma_wait3A_386 = arith.constant 0 : i32
    %dma_wait3A_387 = arith.constant 0 : i32
    %dma_wait3A_388 = tpu.memref_slice %arg4[%add3A_379, %dma_wait3A_386, %dma_wait3A_387] : memref<4096x50x128xf32, #tpu.memory_space<hbm>> -> memref<1x50x128xf32, #tpu.memory_space<hbm>>
    tpu.wait_dma2 semaphore(%dma_wait3A_385 : memref<!tpu.dma_semaphore, #tpu.memory_space<semaphore_mem>>) src(%arg10 : memref<1x50x128xf32, #tpu.memory_space<vmem>>) dst(%dma_wait3A_388 : memref<1x50x128xf32, #tpu.memory_space<hbm>>)
    %add3A_389 = arith.constant 125 : i32
    %add3A_390 = arith.addi %mul3A_2, %add3A_389 : i32
    %dma_wait3A_391 = arith.constant 5 : i32
    %dma_wait3A_392 = arith.constant 0 : i32
    %dma_wait3A_393 = arith.constant 0 : i32
    %dma_wait3A_394 = tpu.memref_slice %arg4[%add3A_390, %dma_wait3A_392, %dma_wait3A_393] : memref<4096x50x128xf32, #tpu.memory_space<hbm>> -> memref<1x50x128xf32, #tpu.memory_space<hbm>>
    %dma_wait3A_395 = tpu.memref_slice %arg15[%dma_wait3A_391] : memref<8x!tpu.dma_semaphore, #tpu.memory_space<semaphore_mem>> -> memref<1x!tpu.dma_semaphore, #tpu.memory_space<semaphore_mem>>
    %dma_wait3A_396 = tpu.memref_squeeze %dma_wait3A_395 : memref<1x!tpu.dma_semaphore, #tpu.memory_space<semaphore_mem>> -> memref<!tpu.dma_semaphore, #tpu.memory_space<semaphore_mem>>
    %dma_wait3A_397 = arith.constant 0 : i32
    %dma_wait3A_398 = arith.constant 0 : i32
    %dma_wait3A_399 = tpu.memref_slice %arg4[%add3A_390, %dma_wait3A_397, %dma_wait3A_398] : memref<4096x50x128xf32, #tpu.memory_space<hbm>> -> memref<1x50x128xf32, #tpu.memory_space<hbm>>
    tpu.wait_dma2 semaphore(%dma_wait3A_396 : memref<!tpu.dma_semaphore, #tpu.memory_space<semaphore_mem>>) src(%arg11 : memref<1x50x128xf32, #tpu.memory_space<vmem>>) dst(%dma_wait3A_399 : memref<1x50x128xf32, #tpu.memory_space<hbm>>)
    %add3A_400 = arith.constant 126 : i32
    %add3A_401 = arith.addi %mul3A_2, %add3A_400 : i32
    %dma_wait3A_402 = arith.constant 6 : i32
    %dma_wait3A_403 = arith.constant 0 : i32
    %dma_wait3A_404 = arith.constant 0 : i32
    %dma_wait3A_405 = tpu.memref_slice %arg4[%add3A_401, %dma_wait3A_403, %dma_wait3A_404] : memref<4096x50x128xf32, #tpu.memory_space<hbm>> -> memref<1x50x128xf32, #tpu.memory_space<hbm>>
    %dma_wait3A_406 = tpu.memref_slice %arg15[%dma_wait3A_402] : memref<8x!tpu.dma_semaphore, #tpu.memory_space<semaphore_mem>> -> memref<1x!tpu.dma_semaphore, #tpu.memory_space<semaphore_mem>>
    %dma_wait3A_407 = tpu.memref_squeeze %dma_wait3A_406 : memref<1x!tpu.dma_semaphore, #tpu.memory_space<semaphore_mem>> -> memref<!tpu.dma_semaphore, #tpu.memory_space<semaphore_mem>>
    %dma_wait3A_408 = arith.constant 0 : i32
    %dma_wait3A_409 = arith.constant 0 : i32
    %dma_wait3A_410 = tpu.memref_slice %arg4[%add3A_401, %dma_wait3A_408, %dma_wait3A_409] : memref<4096x50x128xf32, #tpu.memory_space<hbm>> -> memref<1x50x128xf32, #tpu.memory_space<hbm>>
    tpu.wait_dma2 semaphore(%dma_wait3A_407 : memref<!tpu.dma_semaphore, #tpu.memory_space<semaphore_mem>>) src(%arg12 : memref<1x50x128xf32, #tpu.memory_space<vmem>>) dst(%dma_wait3A_410 : memref<1x50x128xf32, #tpu.memory_space<hbm>>)
    %add3A_411 = arith.constant 127 : i32
    %add3A_412 = arith.addi %mul3A_2, %add3A_411 : i32
    %dma_wait3A_413 = arith.constant 7 : i32
    %dma_wait3A_414 = arith.constant 0 : i32
    %dma_wait3A_415 = arith.constant 0 : i32
    %dma_wait3A_416 = tpu.memref_slice %arg4[%add3A_412, %dma_wait3A_414, %dma_wait3A_415] : memref<4096x50x128xf32, #tpu.memory_space<hbm>> -> memref<1x50x128xf32, #tpu.memory_space<hbm>>
    %dma_wait3A_417 = tpu.memref_slice %arg15[%dma_wait3A_413] : memref<8x!tpu.dma_semaphore, #tpu.memory_space<semaphore_mem>> -> memref<1x!tpu.dma_semaphore, #tpu.memory_space<semaphore_mem>>
    %dma_wait3A_418 = tpu.memref_squeeze %dma_wait3A_417 : memref<1x!tpu.dma_semaphore, #tpu.memory_space<semaphore_mem>> -> memref<!tpu.dma_semaphore, #tpu.memory_space<semaphore_mem>>
    %dma_wait3A_419 = arith.constant 0 : i32
    %dma_wait3A_420 = arith.constant 0 : i32
    %dma_wait3A_421 = tpu.memref_slice %arg4[%add3A_412, %dma_wait3A_419, %dma_wait3A_420] : memref<4096x50x128xf32, #tpu.memory_space<hbm>> -> memref<1x50x128xf32, #tpu.memory_space<hbm>>
    tpu.wait_dma2 semaphore(%dma_wait3A_418 : memref<!tpu.dma_semaphore, #tpu.memory_space<semaphore_mem>>) src(%arg13 : memref<1x50x128xf32, #tpu.memory_space<vmem>>) dst(%dma_wait3A_421 : memref<1x50x128xf32, #tpu.memory_space<hbm>>)
    return
  }
}

</mosaic_0001>

<sc_bundles>
// kernel: kernel.3.cloned.1.call-start
scs
__scs_entry_jumppad:
0x0: {  	(pc) =	sbr.rel $0x88, $3  }
0x1: {  	(tag) =	ssettag $0x0;
	lr =	simm.s32 $0x1  }
0x2: {  	[smem:$0x3F9F] =	sst lr;
	_ =	strace $0xD0000000  }
0x3: {  	_ = 	snop  }
0x4: {  	_ = 	snop  }
0x5: {  	_ = 	snop  }
0x6: {  	_ = 	snop  }
0x7: {  	_ = 	snop  }
__scs_overlays_trampoline_lowered:
0x8: {  	[smem:$0x3FAE] =	sst s0  }
0x9: {  	[smem:$0x3FAF] =	sst s1  }
0xa: {  	[smem:$0x3FB0] =	sst s2  }
0xb: {  	[smem:$0x3FB1] =	sst s3  }
0xc: {  	[smem:$0x3FB2] =	sst s4  }
0xd: {  	[smem:$0x3FB3] =	sst s5  }
0xe: {  	[smem:$0x3FB4] =	sst s6  }
0xf: {  	[smem:$0x3FB5] =	sst s7  }
0x10: {  	[smem:$0x3FB6] =	sst s8  }
0x11: {  	[smem:$0x3FB7] =	sst s9;
	s0 =	simm.s32 @!p0 $0x0  }
0x12: {  	s1 =	sld [smem:$0x3F9D];
	s0 =	simm.s32 @p0 $0x1  }
0x13: {  	[smem:$0x3FB8] =	sst s0;
	s0 =	simm.s32 @!p1 $0x0  }
0x14: {  	s2 =	sld [smem:$0x3F9C];
	s0 =	simm.s32 @p1 $0x1  }
0x15: {  	[smem:$0x3FB9] =	sst s0;
	s0 =	simm.s32 @!p2 $0x0  }
0x16: {  	s3 =	sld [smem:$0x3FDB];
	s0 =	simm.s32 @p2 $0x1  }
0x17: {  	s4 =	simm.s32 $0x1BF5;
	[smem:$0x3FBB] =	sst s0  }
0x18: {  	s0 =	sld [smem:$0x3F9E];
	_ =	swait.ge [sflag:s4], $0x0  }
0x19: {  	s7 =	sld [smem:$0x3F9F]  }
0x1a: {  	s8 =	sadd.s32 $0xFFFFE003, lr  }
0x1b: {  	s9 =	sadd.s32 $0xFFFFFEF7, lr;
	s5 =	simm.s32 $0xFFFFFFFF;
	p2 =	slt.u32 s8, $0xFFFFF086  }
0x1c: {  	p1 =	slt.u32 s9, $0xF7A;
	s5 =	simm.s32 @!p2 $0x0  }
0x1d: {  	s5 =	simm.s32 @p1 $0x1;
	p0 =	seq.s32 s7, s2  }
0x1e: {  	s7 =	smul.u32 @!p0 $0xF7A, s2;
	p2 =	seq.s32 @!p0 s5, $0x0  }
0x1f: {  	s9 =	smul.u32 $0xF7A, s1;
	s8 =	simm.s32 @!p0 $0x1BF5;
	p2 =	por !p2, p0  }
0x20: {  	[sflag:s8] =	ssyncset.s32 @!p0 $0xFFFFF086;
	s6 =	sadd.s32 @!p0 s3, s7;
	s7 =	simm.s32 @!p0 $0x108  }
0x21: {  	s3 =	sadd.s32 s3, s9;
	s6 =	sadd.s32 @!p0 $0x88, s6;
	s7 =	simm.s32 @p2 $0x1082  }
0x22: {  	[simem:s7], [sflag:s8] =	dma.local @!p0 [hbm:s6], $0xF7A  }
0x23: {  	s9 =	sor.u32 $0xD0000000, s2;
	s6 =	simm.s32 $0x108;
	_ =	swait.ge @!p0 [sflag:s8], $0x0  }
0x24: {  	s3 =	sadd.s32 $0x88, s3;
	s6 =	simm.s32 @!p1 $0x1082;
	[sflag:s4] =	ssyncset.s32 $0xFFFFF086  }
0x25: {  	[simem:s6], [sflag:s4] =	dma.local [hbm:s3], $0xF7A  }
0x26: {  	[smem:$0x3F9F] =	sst s1;
	(tag) =	ssettag s2;
	_ =	strace s9  }
0x27: {  	s1 =	sld [smem:$0x3FAF]  }
0x28: {  	s2 =	sld [smem:$0x3FB0]  }
0x29: {  	s4 =	sld [smem:$0x3FB2]  }
0x2a: {  	p0 =	seq.s32 s5, $0x0;
	s5 =	sld [smem:$0x3FB3]  }
0x2b: {  	s6 =	sld [smem:$0x3FB4]  }
0x2c: {  	s7 =	sld [smem:$0x3FB5]  }
0x2d: {  	s3 =	simm.s32 $0x108;
	s8 =	sld [smem:$0x3FB6]  }
0x2e: {  	s3 =	simm.s32 @!p0 $0x1082;
	s9 =	sld [smem:$0x3FB7]  }
0x2f: {  	lr =	sadd.s32 s0, s3;
	s0 =	sld [smem:$0x3FAE]  }
0x30: {  	s3 =	sld [smem:$0x3FB1]  }
0x31: {  	[smem:$0x3FBA] =	sst s10  }
0x32: {  	s10 =	sld [smem:$0x3FB8];
	_ =	sdelay $0x3  }
0x33: {  	p0 =	seq.s32 s10, $0x1;
	s10 =	sld [smem:$0x3FBA];
	_ =	sdelay $0x3  }
0x34: {  	[smem:$0x3FBA] =	sst s10  }
0x35: {  	s10 =	sld [smem:$0x3FB9];
	_ =	sdelay $0x3  }
0x36: {  	p1 =	seq.s32 s10, $0x1;
	s10 =	sld [smem:$0x3FBA];
	_ =	sdelay $0x3  }
0x37: {  	[smem:$0x3FBA] =	sst s10  }
0x38: {  	s10 =	sld [smem:$0x3FBB]  }
0x39: {  	_ = 	snop;
	(pc) =	sbr.ind lr, $3  }
0x3a: {  	_ = 	snop  }
0x3b: {  	_ = 	snop  }
0x3c: {  	p2 =	seq.s32 s10, $0x1;
	s10 =	sld [smem:$0x3FBA]  }
0x3d: {  	_ =	shalt  }
0x3e: {  	_ =	shalt  }
0x3f: {  	_ =	shalt  }
0x40: {  	_ =	shalt  }
0x41: {  	_ =	shalt  }
0x42: {  	_ =	shalt  }
0x43: {  	_ =	shalt  }
0x44: {  	_ =	shalt  }
0x45: {  	_ =	shalt  }
0x46: {  	_ =	shalt  }
0x47: {  	_ =	shalt  }
0x48: {  	_ =	shalt  }
0x49: {  	_ =	shalt  }
0x4a: {  	_ =	shalt  }
0x4b: {  	_ =	shalt  }
0x4c: {  	_ =	shalt  }
0x4d: {  	_ =	shalt  }
0x4e: {  	_ =	shalt  }
0x4f: {  	_ =	shalt  }
0x50: {  	_ =	shalt  }
0x51: {  	_ =	shalt  }
0x52: {  	_ =	shalt  }
0x53: {  	_ =	shalt  }
0x54: {  	_ =	shalt  }
0x55: {  	_ =	shalt  }
0x56: {  	_ =	shalt  }
0x57: {  	_ =	shalt  }
0x58: {  	_ =	shalt  }
0x59: {  	_ =	shalt  }
0x5a: {  	_ =	shalt  }
0x5b: {  	_ =	shalt  }
0x5c: {  	_ =	shalt  }
0x5d: {  	_ =	shalt  }
0x5e: {  	_ =	shalt  }
0x5f: {  	_ =	shalt  }
0x60: {  	_ =	shalt  }
0x61: {  	_ =	shalt  }
0x62: {  	_ =	shalt  }
0x63: {  	_ =	shalt  }
0x64: {  	_ =	shalt  }
0x65: {  	_ =	shalt  }
0x66: {  	_ =	shalt  }
0x67: {  	_ =	shalt  }
0x68: {  	_ =	shalt  }
0x69: {  	_ =	shalt  }
0x6a: {  	_ =	shalt  }
0x6b: {  	_ =	shalt  }
0x6c: {  	_ =	shalt  }
0x6d: {  	_ =	shalt  }
0x6e: {  	_ =	shalt  }
0x6f: {  	_ =	shalt  }
0x70: {  	_ =	shalt  }
0x71: {  	_ =	shalt  }
0x72: {  	_ =	shalt  }
0x73: {  	_ =	shalt  }
0x74: {  	_ =	shalt  }
0x75: {  	_ =	shalt  }
0x76: {  	_ =	shalt  }
0x77: {  	_ =	shalt  }
0x78: {  	_ =	shalt  }
0x79: {  	_ =	shalt  }
0x7a: {  	_ =	shalt  }
0x7b: {  	_ =	shalt  }
0x7c: {  	_ =	shalt  }
0x7d: {  	_ =	shalt  }
0x7e: {  	_ =	shalt  }
0x7f: {  	_ =	shalt  }
0x80: {  	_ =	shalt  }
0x81: {  	_ =	shalt  }
0x82: {  	_ =	shalt  }
0x83: {  	_ =	shalt  }
0x84: {  	_ =	shalt  }
0x85: {  	_ =	shalt  }
0x86: {  	_ =	shalt  }
0x87: {  	_ =	shalt  }
.Lfunc_end0:
.L_simem_size_0:
called_computation_lowered:
.L_overlay_start_0:
0x88: {  	s2 =	sld [smem:$0x3FD9]  }
0x89: {  	s3 =	sld [smem:$0x3FFE];
	_ =	sdelay $0x1  }
0x8a: {  	s1 =	srdreg.scid  }
0x8b: {  	s0 =	sand.u32 $0x1, s1  }
0x8c: {  	s17 =	sshll.u32 s0, $0xA;
	s2 =	sadd.s32 s3, s2  }
0x8d: {  	s2 =	sadd.s32 s2, s17  }
0x8e: {  	[smem:$0x3FC6] =	sst s2  }
0x8f: {  	_ = 	snop  }
0x90: {  	s2 =	sld [smem:$0x3FC8]  }
0x91: {  	s18 =	sld [smem:$0x3FD0];
	(tm) =	ssettm $0x1  }
0x92: {  	s4 =	sld [smem:$0x3FFB];
	_ =	sdelay $0x3  }
0x93: {  	_ =	strace s4  }
0x94: {  	s4 =	sld [smem:$0x3FFC];
	_ =	sdelay $0x3  }
0x95: {  	_ =	strace s4  }
0x96: {  	s4 =	sld [smem:$0x3FFD];
	_ =	sdelay $0x3  }
0x97: {  	_ =	strace s4  }
0x98: {  	_ =	strace $0x8FFFFFFF  }
0x99: {  	s19 =	sld [smem:$0x3FDB];
	_ =	sdelay $0x1  }
0x9a: {  	s5 =	simm.s32 $_scs_section_size  }
0x9b: {  	s6 =	simm.s32 $_size__tile_overlayer_lowered;
	s7 =	simm.s32 $_tile_overlayer_lowered  }
0x9c: {  	s22 =	simm.s32 $0x1BFF;
	s21 =	sshll.u32 s7, $0x1;
	s4 =	sadd.s32 s5, s19  }
0x9d: {  	s8 =	simm.s32 $0x0;
	s20 =	sshll.u32 s6, $0x1;
	s6 =	sadd.s32 s21, s4  }
0x9e: {  	[timem:s8], [sflag:s22] =	dma.local [hbm:s6], s20  }
0x9f: {  	_ =	swait.ge [sflag:s22], s20  }
0xa0: {  	s5 =	ssub.s32 $0x0, s20;
	[sflag:s22] =	ssyncset.done $0x0  }
0xa1: {  	[sflag:s22] =	ssyncadd.s32 s5;
	_ =	sdelay $0x1  }
0xa2: {  	s23 =	simm.s32 $0x1B8B  }
0xa3: {  	_ =	swait.ge [sflag:s23], $0x1  }
0xa4: {  	[sflag:s23] =	ssyncset.done $0x0  }
0xa5: {  	s25 =	simm.s32 $0x1B8E;
	s24 =	sld [smem:$0x3FFE];
	[sflag:s23] =	ssyncadd.s32 $0xFFFFFFFF  }
0xa6: {  	s26 =	simm.s32 $execute0_lowered;
	[smem:$0x3FD2] =	sst s25  }
0xa7: {  	s6 =	sshll.u32 s26, $0x1;
	_ =	strace $0x80000046;
	[dreg:$0x1] =	wrdreg $0xFFFFFFFF  }
0xa8: {  	s28 =	simm.s32 $_size_execute0_lowered;
	s4 =	sadd.s32 s4, s6;
	[dreg:$0x0] =	wrdreg $0x0  }
0xa9: {  	s6 =	sshll.u32 s28, $0x1;
	[dreg:$0x2] =	wrdreg s4  }
0xaa: {  	[dreg:$0x3] =	wrdreg s6  }
0xab: {  	[dreg:$0x4] =	wrdreg $0xC0  }
0xac: {  	_ =	task [dreg:s8], $0x5FFFF  }
0xad: {  	[dreg:$0x1] =	wrdreg $0xFFFFFFFF  }
0xae: {  	[dreg:$0x0] =	wrdreg $0x60  }
0xaf: {  	[dreg:$0x2] =	wrdreg s18  }
0xb0: {  	[dreg:$0x3] =	wrdreg s2  }
0xb1: {  	[dreg:$0x4] =	wrdreg s24  }
0xb2: {  	[dreg:$0x5] =	wrdreg $0x9  }
0xb3: {  	_ =	task.clear_ibuf [dreg:s8], $0x6FFFF;
	_ =	strace $0x90000046  }
0xb4: {  	s29 =	simm.s32 $0x9;
	_ =	strace $0x80000048  }
0xb5: {  	_ =	swait.ge [sflag:s29], $0x1  }
0xb6: {  	[sflag:s29] =	ssyncadd.s32 $0xFFFFFFFF  }
0xb7: {  	_ =	strace $0x90000048  }
0xb8: {  	_ =	sfence  }
0xb9: {  	s30 =	sld [smem:$0x0];
	_ =	sdelay $0x2  }
0xba: {  	s31 =	sshll.u32 s1, $0xD;
	s1 =	sshrl.u32 s1, $0x2  }
0xbb: {  	s3 =	sand.u32 $0x4000, s31;
	s1 =	sadd.s32 s1, s30  }
0xbc: {  	s0 =	sor.u32 s3, s0;
	s1 =	sshll.u32 s1, $0x11  }
0xbd: {  	s0 =	sor.u32 s1, s0  }
0xbe: {  	s0 =	sadd.s32 $0x8F2B, s0  }
0xbf: {  	[sflag:s0] =	ssyncadd.remote.s32 $0x1  }
0xc0: {  	_ =	sfence.sel $0xFFFF  }
0xc1: {  	[dreg:$0x0] =	wrdreg $0xFFFFFFFF;
	(pc) =	sbr.abs _section_cstart, $3  }
0xc2: {  	[dreg:$0x1] =	wrdreg $0xFFFFFFFF  }
0xc3: {  	_ =	task.clear_ibuf [dreg:s8], $0x2FFFF;
	_ =	strace $0x9FFFFFFF  }
0xc4: {  	(tm) =	ssettm $0x7FFFFFFF  }
0xc5: {  	_ =	shalt  }
tec
execute0_lowered:
.L_overlay_start_1:
0x0: {  	(tag) =	ssettag $0x1  }
0x1: {  	s0 =	rddreg [dreg:$0x0]  }
0x2: {  	s2 =	rddreg [dreg:$0x1]  }
0x3: {  	s1 =	srdreg.scid;
	s9 =	stileid.u32  }
0x4: {  	s4 =	rddreg [dreg:$0x2];
	s3 =	simm.s32 $0x0;
	s16 =	simm.s32 $0x32  }
0x5: {  	s28 =	simm.s32 $0xCC00;
	s30 =	simm.s32 $0xE800;
	s29 =	simm.s32 $0x7  }
0x6: {  	s31 =	simm.s32 $0x8;
	s10 =	simm.s32 $0xF;
	s11 =	simm.s32 $0x10  }
0x7: {  	s13 =	simm.s32 $0x0;
	s1 =	sand.u32 $0x1, s1;
	s5 =	sshll.u32 s9, $0x1  }
0x8: {  	[smem:$0x7FF] =	sst s3;
	s4 =	sadd.s32 $0x400, s4;
	s21 =	smul.u32 $0x38000, s9  }
0x9: {  	s9 =	simm.s32 $0xE;
	s5 =	sor.u32 s1, s5;
	s7 =	ssub.s32 $0x2, s1  }
0xa: {  	_ =	strace $0x80000047;
	s6 =	smul.u32 $0xE0000, s5;
	s8 =	sshrl.u32 s7, $0x1  }
0xb: {  	s1 =	smul.u32 $0x1C000, s1;
	s5 =	sshll.u32 s5, $0xB;
	s7 =	ssub.s32 s7, s8  }
0xc: {  	s0 =	sadd.s32 s0, s5;
	s5 =	simm.s32 $0xA;
	s6 =	sshrl.u32 s6, $0x3  }
0xd: {  	[dreg:$0x4] =	wrdreg s0;
	s0 =	sadd.s32 s21, s4;
	s26 =	smax.u32 s7, $0x1  }
0xe: {  	s6 =	sadd.s32 s4, s6;
	[dreg:$0xd] =	wrdreg s26;
	s0 =	sadd.s32 s1, s0  }
0xf: {  	s8 =	simm.s32 $0xD;
	s17 =	sadd.s32 $0x1A400, s6;
	[dreg:$0xe] =	wrdreg s0  }
0x10: {  	s21 =	simm.s32 $0x7800;
	s18 =	sadd.s32 $0x1A780, s6;
	[dreg:$0x5] =	wrdreg s17  }
0x11: {  	s7 =	simm.s32 $0xC;
	s19 =	sadd.s32 $0x1AB00, s6;
	[dreg:$0x6] =	wrdreg s18  }
0x12: {  	s1 =	simm.s32 $0x10400;
	s20 =	sadd.s32 $0x1AE80, s6;
	[dreg:$0x7] =	wrdreg s19  }
0x13: {  	s26 =	simm.s32 $0x6;
	s22 =	sadd.s32 $0x1B200, s6;
	[dreg:$0x8] =	wrdreg s20  }
0x14: {  	s4 =	simm.s32 $0x9;
	s23 =	sadd.s32 $0x1B580, s6;
	[dreg:$0x9] =	wrdreg s22  }
0x15: {  	s24 =	sadd.s32 $0x1B900, s6;
	s25 =	sadd.s32 $0x1BC80, s6;
	[dreg:$0xa] =	wrdreg s23  }
0x16: {  	s0 =	simm.s32 $0x1;
	s6 =	simm.s32 $0xB;
	[dreg:$0xb] =	wrdreg s24  }
0x17: {  	[dreg:$0xc] =	wrdreg s25;
	s17 =	simm.s32 $0x4000;
	s19 =	simm.s32 $0x5C00  }
0x18: {  	s23 =	simm.s32 $0x9400;
	s25 =	simm.s32 $0xB000;
	s18 =	simm.s32 $0x2  }
0x19: {  	s20 =	simm.s32 $0x3;
	s22 =	simm.s32 $0x4;
	s24 =	simm.s32 $0x5  }
.LBB2_1:
0x1a: {  	[dreg:$0xf] =	wrdreg s13  }
0x1b: {  	s12 =	rddreg [dreg:$0x4];
	s14 =	simm.s32 $0x11  }
0x1c: {  	[tilespmem:s3], [sflag:$0x11] =	stream.linear.gather [hbm4b:s12+s3], $0x4000, $0x38;
	[tilespmem:$0x12000] =	vst v63  }
0x1d: {  	_ =	swait.ge [sflag:s14], $0x4000  }
0x1e: {  	[sflag:s14] =	ssyncset.done $0x0  }
0x1f: {  	[sflag:s14] =	ssyncadd.s32 $0xFFFFC000  }
0x20: {  	[tilespmem:s17], [sflag:$0x1] =	stream.indirect.gather [hbm4b:s2+s16], $0x80, s3, s16, $0xb8;
	[tilespmem:$0x12000] =	vst v63  }
0x21: {  	s15 =	simm.s32 $0x80  }
0x22: {  	[tilespmem:s19], [sflag:$0x2] =	stream.indirect.gather [hbm4b:s2+s16], $0x80, s15, s16, $0xb8;
	[tilespmem:$0x12000] =	vst v63  }
0x23: {  	s13 =	simm.s32 $0x100  }
0x24: {  	[tilespmem:s21], [sflag:$0x3] =	stream.indirect.gather [hbm4b:s2+s16], $0x80, s13, s16, $0xb8;
	[tilespmem:$0x12000] =	vst v63  }
0x25: {  	s14 =	simm.s32 $0x180  }
0x26: {  	[tilespmem:s23], [sflag:$0x4] =	stream.indirect.gather [hbm4b:s2+s16], $0x80, s14, s16, $0xb8;
	[tilespmem:$0x12000] =	vst v63  }
0x27: {  	s15 =	simm.s32 $0x200  }
0x28: {  	[tilespmem:s25], [sflag:$0x5] =	stream.indirect.gather [hbm4b:s2+s16], $0x80, s15, s16, $0xb8;
	[tilespmem:$0x12000] =	vst v63  }
0x29: {  	s13 =	simm.s32 $0x280  }
0x2a: {  	[tilespmem:s28], [sflag:$0x6] =	stream.indirect.gather [hbm4b:s2+s16], $0x80, s13, s16, $0xb8;
	[tilespmem:$0x12000] =	vst v63  }
0x2b: {  	s14 =	simm.s32 $0x300  }
0x2c: {  	[tilespmem:s30], [sflag:$0x7] =	stream.indirect.gather [hbm4b:s2+s16], $0x80, s14, s16, $0xb8;
	[tilespmem:$0x12000] =	vst v63  }
0x2d: {  	s15 =	simm.s32 $0x380  }
0x2e: {  	[tilespmem:s1], [sflag:$0x8] =	stream.indirect.gather [hbm4b:s2+s16], $0x80, s15, s16, $0xb8;
	[tilespmem:$0x12000] =	vst v63  }
0x2f: {  	_ =	swait.ge [sflag:s0], $0x1900  }
0x30: {  	[sflag:s0] =	ssyncset.done $0x0  }
0x31: {  	s14 =	rddreg [dreg:$0xe];
	[sflag:s0] =	ssyncadd.s32 $0xFFFFE700  }
0x32: {  	[hbm4b:s14+s3] =	stream.linear.scatter [tilespmem:s17], [sflag:$0x9], $0x1900, $0x38;
	[tilespmem:$0x12000] =	vst v63  }
0x33: {  	_ =	swait.ge [sflag:s18], $0x1900  }
0x34: {  	[sflag:s18] =	ssyncset.done $0x0  }
0x35: {  	s13 =	sadd.s32 $0x380, s14;
	[sflag:s18] =	ssyncadd.s32 $0xFFFFE700  }
0x36: {  	[hbm4b:s13+s3] =	stream.linear.scatter [tilespmem:s19], [sflag:$0xA], $0x1900, $0x38;
	[tilespmem:$0x12000] =	vst v63  }
0x37: {  	_ =	swait.ge [sflag:s20], $0x1900  }
0x38: {  	[sflag:s20] =	ssyncset.done $0x0  }
0x39: {  	s15 =	sadd.s32 $0x700, s14;
	[sflag:s20] =	ssyncadd.s32 $0xFFFFE700  }
0x3a: {  	[hbm4b:s15+s3] =	stream.linear.scatter [tilespmem:s21], [sflag:$0xB], $0x1900, $0x38;
	[tilespmem:$0x12000] =	vst v63  }
0x3b: {  	_ =	swait.ge [sflag:s22], $0x1900  }
0x3c: {  	[sflag:s22] =	ssyncset.done $0x0  }
0x3d: {  	s13 =	sadd.s32 $0xA80, s14;
	[sflag:s22] =	ssyncadd.s32 $0xFFFFE700  }
0x3e: {  	[hbm4b:s13+s3] =	stream.linear.scatter [tilespmem:s23], [sflag:$0xC], $0x1900, $0x38;
	[tilespmem:$0x12000] =	vst v63  }
0x3f: {  	_ =	swait.ge [sflag:s24], $0x1900  }
0x40: {  	[sflag:s24] =	ssyncset.done $0x0  }
0x41: {  	s15 =	sadd.s32 $0xE00, s14;
	[sflag:s24] =	ssyncadd.s32 $0xFFFFE700  }
0x42: {  	[hbm4b:s15+s3] =	stream.linear.scatter [tilespmem:s25], [sflag:$0xD], $0x1900, $0x38;
	[tilespmem:$0x12000] =	vst v63  }
0x43: {  	_ =	swait.ge [sflag:s26], $0x1900  }
0x44: {  	[sflag:s26] =	ssyncset.done $0x0  }
0x45: {  	s13 =	sadd.s32 $0x1180, s14;
	[sflag:s26] =	ssyncadd.s32 $0xFFFFE700  }
0x46: {  	[hbm4b:s13+s3] =	stream.linear.scatter [tilespmem:s28], [sflag:$0xE], $0x1900, $0x38;
	[tilespmem:$0x12000] =	vst v63  }
0x47: {  	_ =	swait.ge [sflag:s29], $0x1900  }
0x48: {  	[sflag:s29] =	ssyncset.done $0x0  }
0x49: {  	s15 =	sadd.s32 $0x1500, s14;
	[sflag:s29] =	ssyncadd.s32 $0xFFFFE700  }
0x4a: {  	[hbm4b:s15+s3] =	stream.linear.scatter [tilespmem:s30], [sflag:$0xF], $0x1900, $0x38;
	[tilespmem:$0x12000] =	vst v63  }
0x4b: {  	_ =	swait.ge [sflag:s31], $0x1900  }
0x4c: {  	[sflag:s31] =	ssyncset.done $0x0  }
0x4d: {  	s13 =	sadd.s32 $0x1880, s14;
	[sflag:s31] =	ssyncadd.s32 $0xFFFFE700  }
0x4e: {  	[hbm4b:s13+s3] =	stream.linear.scatter [tilespmem:s1], [sflag:$0x10], $0x1900, $0x38;
	[tilespmem:$0x12000] =	vst v63  }
0x4f: {  	_ =	swait.ge [sflag:s4], $0x1900  }
0x50: {  	[sflag:s4] =	ssyncset.done $0x0  }
0x51: {  	s15 =	simm.s32 $0x400;
	[sflag:s4] =	ssyncadd.s32 $0xFFFFE700  }
0x52: {  	[tilespmem:s17], [sflag:$0x1] =	stream.indirect.gather [hbm4b:s2+s16], $0x80, s15, s16, $0xb8;
	[tilespmem:$0x12000] =	vst v63  }
0x53: {  	_ =	swait.ge [sflag:s5], $0x1900  }
0x54: {  	[sflag:s5] =	ssyncset.done $0x0  }
0x55: {  	s13 =	simm.s32 $0x480;
	[sflag:s5] =	ssyncadd.s32 $0xFFFFE700  }
0x56: {  	[tilespmem:s19], [sflag:$0x2] =	stream.indirect.gather [hbm4b:s2+s16], $0x80, s13, s16, $0xb8;
	[tilespmem:$0x12000] =	vst v63  }
0x57: {  	_ =	swait.ge [sflag:s6], $0x1900  }
0x58: {  	[sflag:s6] =	ssyncset.done $0x0  }
0x59: {  	s15 =	simm.s32 $0x500;
	[sflag:s6] =	ssyncadd.s32 $0xFFFFE700  }
0x5a: {  	[tilespmem:s21], [sflag:$0x3] =	stream.indirect.gather [hbm4b:s2+s16], $0x80, s15, s16, $0xb8;
	[tilespmem:$0x12000] =	vst v63  }
0x5b: {  	_ =	swait.ge [sflag:s7], $0x1900  }
0x5c: {  	[sflag:s7] =	ssyncset.done $0x0  }
0x5d: {  	s13 =	simm.s32 $0x580;
	[sflag:s7] =	ssyncadd.s32 $0xFFFFE700  }
0x5e: {  	[tilespmem:s23], [sflag:$0x4] =	stream.indirect.gather [hbm4b:s2+s16], $0x80, s13, s16, $0xb8;
	[tilespmem:$0x12000] =	vst v63  }
0x5f: {  	_ =	swait.ge [sflag:s8], $0x1900  }
0x60: {  	[sflag:s8] =	ssyncset.done $0x0  }
0x61: {  	s15 =	simm.s32 $0x600;
	[sflag:s8] =	ssyncadd.s32 $0xFFFFE700  }
0x62: {  	[tilespmem:s25], [sflag:$0x5] =	stream.indirect.gather [hbm4b:s2+s16], $0x80, s15, s16, $0xb8;
	[tilespmem:$0x12000] =	vst v63  }
0x63: {  	_ =	swait.ge [sflag:s9], $0x1900  }
0x64: {  	[sflag:s9] =	ssyncset.done $0x0  }
0x65: {  	s13 =	simm.s32 $0x680;
	[sflag:s9] =	ssyncadd.s32 $0xFFFFE700  }
0x66: {  	[tilespmem:s28], [sflag:$0x6] =	stream.indirect.gather [hbm4b:s2+s16], $0x80, s13, s16, $0xb8;
	[tilespmem:$0x12000] =	vst v63  }
0x67: {  	_ =	swait.ge [sflag:s10], $0x1900  }
0x68: {  	[sflag:s10] =	ssyncset.done $0x0  }
0x69: {  	s15 =	simm.s32 $0x700;
	[sflag:s10] =	ssyncadd.s32 $0xFFFFE700  }
0x6a: {  	[tilespmem:s30], [sflag:$0x7] =	stream.indirect.gather [hbm4b:s2+s16], $0x80, s15, s16, $0xb8;
	[tilespmem:$0x12000] =	vst v63  }
0x6b: {  	_ =	swait.ge [sflag:s11], $0x1900  }
0x6c: {  	s12 =	simm.s32 $0x780;
	[sflag:s11] =	ssyncset.done $0x0  }
0x6d: {  	s13 =	simm.s32 $0x1000;
	s15 =	sadd.s32 $0x1C00, s14;
	[sflag:s11] =	ssyncadd.s32 $0xFFFFE700  }
.LBB2_2:
0x6e: {  	[tilespmem:s1], [sflag:$0x8] =	stream.indirect.gather [hbm4b:s2+s16], $0x80, s12, s16, $0xb8;
	[tilespmem:$0x12000] =	vst v63  }
0x6f: {  	s12 =	smov.u32 s13  }
0x70: {  	p0 =	sne.s32 s13, $0xE000;
	s13 =	sadd.s32 $0x1000, s13;
	_ =	swait.ge [sflag:s0], $0x1900  }
0x71: {  	[sflag:s0] =	ssyncset.done $0x0  }
0x72: {  	[sflag:s0] =	ssyncadd.s32 $0xFFFFE700  }
0x73: {  	[hbm4b:s15+s3] =	stream.linear.scatter [tilespmem:s17], [sflag:$0x9], $0x1900, $0x38;
	[tilespmem:$0x12000] =	vst v63  }
0x74: {  	_ =	swait.ge [sflag:s18], $0x1900  }
0x75: {  	[sflag:s18] =	ssyncset.done $0x0  }
0x76: {  	s14 =	sadd.s32 $0x380, s15;
	[sflag:s18] =	ssyncadd.s32 $0xFFFFE700  }
0x77: {  	[hbm4b:s14+s3] =	stream.linear.scatter [tilespmem:s19], [sflag:$0xA], $0x1900, $0x38;
	[tilespmem:$0x12000] =	vst v63  }
0x78: {  	_ =	swait.ge [sflag:s20], $0x1900  }
0x79: {  	[sflag:s20] =	ssyncset.done $0x0  }
0x7a: {  	s14 =	sadd.s32 $0x700, s15;
	[sflag:s20] =	ssyncadd.s32 $0xFFFFE700  }
0x7b: {  	[hbm4b:s14+s3] =	stream.linear.scatter [tilespmem:s21], [sflag:$0xB], $0x1900, $0x38;
	[tilespmem:$0x12000] =	vst v63  }
0x7c: {  	_ =	swait.ge [sflag:s22], $0x1900  }
0x7d: {  	[sflag:s22] =	ssyncset.done $0x0  }
0x7e: {  	s14 =	sadd.s32 $0xA80, s15;
	[sflag:s22] =	ssyncadd.s32 $0xFFFFE700  }
0x7f: {  	[hbm4b:s14+s3] =	stream.linear.scatter [tilespmem:s23], [sflag:$0xC], $0x1900, $0x38;
	[tilespmem:$0x12000] =	vst v63  }
0x80: {  	_ =	swait.ge [sflag:s24], $0x1900  }
0x81: {  	[sflag:s24] =	ssyncset.done $0x0  }
0x82: {  	s14 =	sadd.s32 $0xE00, s15;
	[sflag:s24] =	ssyncadd.s32 $0xFFFFE700  }
0x83: {  	[hbm4b:s14+s3] =	stream.linear.scatter [tilespmem:s25], [sflag:$0xD], $0x1900, $0x38;
	[tilespmem:$0x12000] =	vst v63  }
0x84: {  	_ =	swait.ge [sflag:s26], $0x1900  }
0x85: {  	[sflag:s26] =	ssyncset.done $0x0  }
0x86: {  	s14 =	sadd.s32 $0x1180, s15;
	[sflag:s26] =	ssyncadd.s32 $0xFFFFE700  }
0x87: {  	[hbm4b:s14+s3] =	stream.linear.scatter [tilespmem:s28], [sflag:$0xE], $0x1900, $0x38;
	[tilespmem:$0x12000] =	vst v63  }
0x88: {  	_ =	swait.ge [sflag:s29], $0x1900  }
0x89: {  	[sflag:s29] =	ssyncset.done $0x0  }
0x8a: {  	s14 =	sadd.s32 $0x1500, s15;
	[sflag:s29] =	ssyncadd.s32 $0xFFFFE700  }
0x8b: {  	[hbm4b:s14+s3] =	stream.linear.scatter [tilespmem:s30], [sflag:$0xF], $0x1900, $0x38;
	[tilespmem:$0x12000] =	vst v63  }
0x8c: {  	_ =	swait.ge [sflag:s31], $0x1900  }
0x8d: {  	[sflag:s31] =	ssyncset.done $0x0  }
0x8e: {  	s14 =	sadd.s32 $0x1880, s15;
	[sflag:s31] =	ssyncadd.s32 $0xFFFFE700  }
0x8f: {  	[hbm4b:s14+s3] =	stream.linear.scatter [tilespmem:s1], [sflag:$0x10], $0x1900, $0x38;
	[tilespmem:$0x12000] =	vst v63  }
0x90: {  	_ =	swait.ge [sflag:s4], $0x1900  }
0x91: {  	s12 =	sshra.s32 s12, $0x2;
	[sflag:s4] =	ssyncset.done $0x0  }
0x92: {  	s14 =	sadd.s32 $0x400, s12;
	[sflag:s4] =	ssyncadd.s32 $0xFFFFE700  }
0x93: {  	[tilespmem:s17], [sflag:$0x1] =	stream.indirect.gather [hbm4b:s2+s16], $0x80, s14, s16, $0xb8;
	[tilespmem:$0x12000] =	vst v63  }
0x94: {  	_ =	swait.ge [sflag:s5], $0x1900  }
0x95: {  	[sflag:s5] =	ssyncset.done $0x0  }
0x96: {  	s14 =	sadd.s32 $0x480, s12;
	[sflag:s5] =	ssyncadd.s32 $0xFFFFE700  }
0x97: {  	[tilespmem:s19], [sflag:$0x2] =	stream.indirect.gather [hbm4b:s2+s16], $0x80, s14, s16, $0xb8;
	[tilespmem:$0x12000] =	vst v63  }
0x98: {  	_ =	swait.ge [sflag:s6], $0x1900  }
0x99: {  	[sflag:s6] =	ssyncset.done $0x0  }
0x9a: {  	s14 =	sadd.s32 $0x500, s12;
	[sflag:s6] =	ssyncadd.s32 $0xFFFFE700  }
0x9b: {  	[tilespmem:s21], [sflag:$0x3] =	stream.indirect.gather [hbm4b:s2+s16], $0x80, s14, s16, $0xb8;
	[tilespmem:$0x12000] =	vst v63  }
0x9c: {  	_ =	swait.ge [sflag:s7], $0x1900  }
0x9d: {  	[sflag:s7] =	ssyncset.done $0x0  }
0x9e: {  	s14 =	sadd.s32 $0x580, s12;
	[sflag:s7] =	ssyncadd.s32 $0xFFFFE700  }
0x9f: {  	[tilespmem:s23], [sflag:$0x4] =	stream.indirect.gather [hbm4b:s2+s16], $0x80, s14, s16, $0xb8;
	[tilespmem:$0x12000] =	vst v63  }
0xa0: {  	_ =	swait.ge [sflag:s8], $0x1900  }
0xa1: {  	[sflag:s8] =	ssyncset.done $0x0  }
0xa2: {  	s14 =	sadd.s32 $0x600, s12;
	[sflag:s8] =	ssyncadd.s32 $0xFFFFE700  }
0xa3: {  	[tilespmem:s25], [sflag:$0x5] =	stream.indirect.gather [hbm4b:s2+s16], $0x80, s14, s16, $0xb8;
	[tilespmem:$0x12000] =	vst v63  }
0xa4: {  	_ =	swait.ge [sflag:s9], $0x1900  }
0xa5: {  	[sflag:s9] =	ssyncset.done $0x0  }
0xa6: {  	s14 =	sadd.s32 $0x680, s12;
	[sflag:s9] =	ssyncadd.s32 $0xFFFFE700  }
0xa7: {  	[tilespmem:s28], [sflag:$0x6] =	stream.indirect.gather [hbm4b:s2+s16], $0x80, s14, s16, $0xb8;
	[tilespmem:$0x12000] =	vst v63  }
0xa8: {  	_ =	swait.ge [sflag:s10], $0x1900  }
0xa9: {  	[sflag:s10] =	ssyncset.done $0x0  }
.Ltmp0:
0xaa: {  	s14 =	sadd.s32 $0x700, s12;
	[sflag:s10] =	ssyncadd.s32 $0xFFFFE700;
	(pc) =	sbr.rel @p0 .LBB2_2-.Ltmp0, $4  }
0xab: {  	[tilespmem:s30], [sflag:$0x7] =	stream.indirect.gather [hbm4b:s2+s16], $0x80, s14, s16, $0xb8;
	[tilespmem:$0x12000] =	vst v63  }
0xac: {  	_ =	swait.ge [sflag:s11], $0x1900  }
0xad: {  	[sflag:s11] =	ssyncset.done $0x0  }
0xae: {  	s15 =	sadd.s32 $0x1C00, s15;
	s12 =	sadd.s32 $0x780, s12;
	[sflag:s11] =	ssyncadd.s32 $0xFFFFE700  }
0xaf: {  	[tilespmem:s1], [sflag:$0x8] =	stream.indirect.gather [hbm4b:s2+s16], $0x80, s12, s16, $0xb8;
	[tilespmem:$0x12000] =	vst v63  }
0xb0: {  	_ =	swait.ge [sflag:s0], $0x1900  }
0xb1: {  	[sflag:s0] =	ssyncset.done $0x0  }
0xb2: {  	s13 =	rddreg [dreg:$0x5];
	[sflag:s0] =	ssyncadd.s32 $0xFFFFE700  }
0xb3: {  	[hbm4b:s13+s3] =	stream.linear.scatter [tilespmem:s17], [sflag:$0x9], $0x1900, $0x38;
	[tilespmem:$0x12000] =	vst v63  }
0xb4: {  	_ =	swait.ge [sflag:s18], $0x1900  }
0xb5: {  	[sflag:s18] =	ssyncset.done $0x0  }
0xb6: {  	s14 =	rddreg [dreg:$0x6];
	[sflag:s18] =	ssyncadd.s32 $0xFFFFE700  }
0xb7: {  	[hbm4b:s14+s3] =	stream.linear.scatter [tilespmem:s19], [sflag:$0xA], $0x1900, $0x38;
	[tilespmem:$0x12000] =	vst v63  }
0xb8: {  	_ =	swait.ge [sflag:s20], $0x1900  }
0xb9: {  	[sflag:s20] =	ssyncset.done $0x0  }
0xba: {  	s15 =	rddreg [dreg:$0x7];
	[sflag:s20] =	ssyncadd.s32 $0xFFFFE700  }
0xbb: {  	[hbm4b:s15+s3] =	stream.linear.scatter [tilespmem:s21], [sflag:$0xB], $0x1900, $0x38;
	[tilespmem:$0x12000] =	vst v63  }
0xbc: {  	_ =	swait.ge [sflag:s22], $0x1900  }
0xbd: {  	[sflag:s22] =	ssyncset.done $0x0  }
0xbe: {  	s13 =	rddreg [dreg:$0x8];
	[sflag:s22] =	ssyncadd.s32 $0xFFFFE700  }
0xbf: {  	[hbm4b:s13+s3] =	stream.linear.scatter [tilespmem:s23], [sflag:$0xC], $0x1900, $0x38;
	[tilespmem:$0x12000] =	vst v63  }
0xc0: {  	_ =	swait.ge [sflag:s24], $0x1900  }
0xc1: {  	[sflag:s24] =	ssyncset.done $0x0  }
0xc2: {  	s14 =	rddreg [dreg:$0x9];
	[sflag:s24] =	ssyncadd.s32 $0xFFFFE700  }
0xc3: {  	[hbm4b:s14+s3] =	stream.linear.scatter [tilespmem:s25], [sflag:$0xD], $0x1900, $0x38;
	[tilespmem:$0x12000] =	vst v63  }
0xc4: {  	_ =	swait.ge [sflag:s26], $0x1900  }
0xc5: {  	[sflag:s26] =	ssyncset.done $0x0  }
0xc6: {  	s15 =	rddreg [dreg:$0xa];
	[sflag:s26] =	ssyncadd.s32 $0xFFFFE700  }
0xc7: {  	[hbm4b:s15+s3] =	stream.linear.scatter [tilespmem:s28], [sflag:$0xE], $0x1900, $0x38;
	[tilespmem:$0x12000] =	vst v63  }
0xc8: {  	_ =	swait.ge [sflag:s29], $0x1900  }
0xc9: {  	[sflag:s29] =	ssyncset.done $0x0  }
0xca: {  	s13 =	rddreg [dreg:$0xb];
	[sflag:s29] =	ssyncadd.s32 $0xFFFFE700  }
0xcb: {  	[hbm4b:s13+s3] =	stream.linear.scatter [tilespmem:s30], [sflag:$0xF], $0x1900, $0x38;
	[tilespmem:$0x12000] =	vst v63  }
0xcc: {  	_ =	swait.ge [sflag:s31], $0x1900  }
0xcd: {  	[sflag:s31] =	ssyncset.done $0x0  }
0xce: {  	s14 =	rddreg [dreg:$0xc];
	[sflag:s31] =	ssyncadd.s32 $0xFFFFE700  }
0xcf: {  	[hbm4b:s14+s3] =	stream.linear.scatter [tilespmem:s1], [sflag:$0x10], $0x1900, $0x38;
	[tilespmem:$0x12000] =	vst v63  }
0xd0: {  	_ =	swait.ge [sflag:s4], $0x1900  }
0xd1: {  	[sflag:s4] =	ssyncset.done $0x0  }
0xd2: {  	[sflag:s4] =	ssyncadd.s32 $0xFFFFE700  }
0xd3: {  	_ =	swait.ge [sflag:s5], $0x1900  }
0xd4: {  	[sflag:s5] =	ssyncset.done $0x0  }
0xd5: {  	[sflag:s5] =	ssyncadd.s32 $0xFFFFE700  }
0xd6: {  	_ =	swait.ge [sflag:s6], $0x1900  }
0xd7: {  	[sflag:s6] =	ssyncset.done $0x0  }
0xd8: {  	[sflag:s6] =	ssyncadd.s32 $0xFFFFE700  }
0xd9: {  	_ =	swait.ge [sflag:s7], $0x1900  }
0xda: {  	[sflag:s7] =	ssyncset.done $0x0  }
0xdb: {  	[sflag:s7] =	ssyncadd.s32 $0xFFFFE700  }
0xdc: {  	_ =	swait.ge [sflag:s8], $0x1900  }
0xdd: {  	[sflag:s8] =	ssyncset.done $0x0  }
0xde: {  	[sflag:s8] =	ssyncadd.s32 $0xFFFFE700  }
0xdf: {  	_ =	swait.ge [sflag:s9], $0x1900  }
0xe0: {  	[sflag:s9] =	ssyncset.done $0x0  }
0xe1: {  	[sflag:s9] =	ssyncadd.s32 $0xFFFFE700  }
0xe2: {  	_ =	swait.ge [sflag:s10], $0x1900  }
0xe3: {  	[sflag:s10] =	ssyncset.done $0x0  }
0xe4: {  	[sflag:s10] =	ssyncadd.s32 $0xFFFFE700  }
0xe5: {  	_ =	swait.ge [sflag:s11], $0x1900  }
0xe6: {  	s13 =	rddreg [dreg:$0xf]  }
0xe7: {  	s15 =	rddreg [dreg:$0xd];
	s13 =	sadd.s32 $0x1, s13  }
0xe8: {  	p0 =	sne.s32 s13, s15  }
.Ltmp1:
0xe9: {  	_ = 	snop;
	(pc) =	sbr.rel @p0 .LBB2_1-.Ltmp1, $3  }
0xea: {  	_ =	sdelay $0x1  }
0xeb: {  	[sflag:s11] =	ssyncset.done $0x0  }
0xec: {  	[sflag:s11] =	ssyncadd.s32 $0xFFFFE700  }
0xed: {  	_ =	sfence.sel $0x180000  }
0xee: {  	[bflag:$0x0] =	sbarrier.arrive $0xFFFF  }
0xef: {  	_ =	strace $0x90000047  }
0xf0: {  	s0 =	stileid.u32;
	[bflag:$0x2] =	sbarrier.arrive $0xFFFF  }
0xf1: {  	p0 =	sne.s32 s0, $0x0;
	s0 =	rddreg [dreg:$0x3]  }
0xf2: {  	s0 =	sadd.s32 @!p0 $0x100000, s0  }
0xf3: {  	[sflag:s0] =	ssyncadd.tile.s32 @!p0 $0x1;
	_ =	shalt  }
.Lfunc_end2:
_tile_overlayer_lowered:
.L_overlay_start_2:
0xf4: {  	(tag) =	ssettag $0x2  }
0xf5: {  	s0 =	rddreg [dreg:$0x0];
	s2 =	stileid.u32  }
0xf6: {  	s1 =	rddreg [dreg:$0x1];
	p0 =	sne.s32 s2, $0x0  }
0xf7: {  	s3 =	rddreg [dreg:$0x2];
	[bflag:$0x3] =	sbarrier.arrive $0xFFFF;
	s2 =	simm.s32 @!p0 $0x1C11  }
0xf8: {  	[timem:s3], [sflag:s2] =	dma.local @!p0 [hbm:s0], s1  }
0xf9: {  	s0 =	simm.s32 @!p0 $0x11  }
0xfa: {  	_ =	swait.ge @!p0 [sflag:s0], s1  }
0xfb: {  	s1 =	ssub.s32 @!p0 $0x0, s1;
	[sflag:s0] =	ssyncset.done @!p0 $0x0  }
0xfc: {  	[sflag:s0] =	ssyncadd.s32 @!p0 s1  }
0xfd: {  	[bflag:$0x3] =	sbarrier.arrive $0xFFFF  }
0xfe: {  	_ =	shalt  }

</sc_bundles>
